<compile_context>
chip_gen: v7x
topology: tpu7x:2x2x1
jax: 0.10.2.dev20260603
libtpu: 0.0.44.dev20260713+nightly
codegen_flags: <defaults>
</compile_context>

<pallas_src>
import jax
import jax.numpy as jnp
from jax import lax
from jax.experimental import pallas as pl
from jax.experimental.pallas import tpu as pltpu
from jax.experimental.pallas import tpu_sc as plsc

N = 10000
E = 320000
D = 128
G = 64
NC = 2
NS = 16
NW = NC * NS
EPT = E // NW
CHUNK = 80
NCHUNK = EPT // CHUNK
RPT = N // NS
BN_INV = 1.0 / (1.0 + 1e-5) ** 0.5


def _sc_agg_body(h_hbm, src_hbm, dst_hbm, zeros_hbm, out_hbm,
                 agg_sh, src_v, dst_v, rows0, rows1, sem0, sem1):
    c = lax.axis_index("c")
    s = lax.axis_index("s")
    pltpu.sync_copy(zeros_hbm, agg_sh.at[pl.ds(s * RPT, RPT)])
    pltpu.sync_copy(src_hbm.at[c, s], src_v)
    pltpu.sync_copy(dst_hbm.at[c, s], dst_v)
    plsc.subcore_barrier()

    def gather(i, buf, sem):
        pltpu.async_copy(h_hbm.at[src_v.at[pl.ds(i * CHUNK, CHUNK)]], buf, sem)

    def gwait(i, buf, sem):
        pltpu.make_async_copy(
            h_hbm.at[src_v.at[pl.ds(i * CHUNK, CHUNK)]], buf, sem).wait()

    def scat(i, buf):
        pltpu.sync_copy(buf, agg_sh.at[dst_v.at[i]], add=True)

    gather(0, rows0, sem0)

    def pair(j, carry):
        i0 = 2 * j
        gather(i0 + 1, rows1, sem1)
        gwait(i0, rows0, sem0)
        scat(i0, rows0)
        gather(i0 + 2, rows0, sem0)
        gwait(i0 + 1, rows1, sem1)
        scat(i0 + 1, rows1)
        return carry

    lax.fori_loop(0, (NCHUNK - 1) // 2, pair, 0)
    gwait(NCHUNK - 1, rows0, sem0)
    scat(NCHUNK - 1, rows0)
    plsc.subcore_barrier()
    pltpu.sync_copy(agg_sh.at[pl.ds(s * RPT, RPT)], out_hbm.at[c, s])


_sc_agg = pl.kernel(
    _sc_agg_body,
    out_type=jax.ShapeDtypeStruct((NC, NS, RPT, D), jnp.float32),
    mesh=plsc.VectorSubcoreMesh(core_axis_name="c", subcore_axis_name="s"),
    scratch_types=[
        pltpu.VMEM_SHARED((N, D), jnp.float32),
        pltpu.VMEM((EPT,), jnp.int32),
        pltpu.VMEM((NCHUNK, CHUNK), jnp.int32),
        pltpu.VMEM((CHUNK, D), jnp.float32),
        pltpu.VMEM((CHUNK, D), jnp.float32),
        pltpu.SemaphoreType.DMA,
        pltpu.SemaphoreType.DMA,
    ],
)


def _tc_layer_body(h_ref, p0_ref, p1_ref, w1_ref, b1_ref, g_ref, be_ref,
                   w2_ref, b2_ref, o_ref):
    z = h_ref[...] + p0_ref[...] + p1_ref[...]
    z = jnp.dot(z, w1_ref[...], preferred_element_type=jnp.float32)
    z = (z + b1_ref[...]) * (g_ref[...] * BN_INV) + be_ref[...]
    z = jnp.maximum(z, 0.0)
    z = jnp.dot(z, w2_ref[...], preferred_element_type=jnp.float32)
    o_ref[...] = jnp.maximum(z + b2_ref[...], 0.0)


def _tc_layer(h, p0, p1, w1, b1, g, be, w2, b2):
    nb = 10
    blk = N // nb
    row_spec = pl.BlockSpec((blk, D), lambda i: (i, 0))
    full = pl.BlockSpec((D, D), lambda i: (0, 0))
    vec = pl.BlockSpec((1, D), lambda i: (0, 0))
    return pl.pallas_call(
        _tc_layer_body,
        grid=(nb,),
        in_specs=[row_spec, row_spec, row_spec, full, vec, vec, vec, full, vec],
        out_specs=row_spec,
        out_shape=jax.ShapeDtypeStruct((N, D), jnp.float32),
    )(h, p0, p1, w1, b1.reshape(1, D), g.reshape(1, D), be.reshape(1, D),
      w2, b2.reshape(1, D))


_NB3 = 10
_BLK3 = N // _NB3


def _tc_layer3_pool_head_body(h_ref, p0_ref, p1_ref, w1_ref, b1_ref, g_ref,
                              be_ref, w2_ref, b2_ref, batch_ref, hw1_ref,
                              hb1_ref, hw2_ref, hb2_ref, o_ref,
                              sums_ref, cnt_ref):
    i = pl.program_id(0)

    @pl.when(i == 0)
    def _():
        sums_ref[...] = jnp.zeros_like(sums_ref)
        cnt_ref[...] = jnp.zeros_like(cnt_ref)

    z = h_ref[...] + p0_ref[...] + p1_ref[...]
    z = jnp.dot(z, w1_ref[...], preferred_element_type=jnp.float32)
    z = (z + b1_ref[...]) * (g_ref[...] * BN_INV) + be_ref[...]
    z = jnp.maximum(z, 0.0)
    z = jnp.dot(z, w2_ref[...], preferred_element_type=jnp.float32)
    z = jnp.maximum(z + b2_ref[...], 0.0)

    gids = lax.broadcasted_iota(jnp.int32, (G, _BLK3), 0)
    onehot = (batch_ref[0] == gids).astype(jnp.float32)
    sums_ref[...] += jnp.dot(onehot, z, preferred_element_type=jnp.float32)
    cnt_ref[...] += jnp.sum(onehot, axis=1, keepdims=True)

    @pl.when(i == _NB3 - 1)
    def _():
        pooled = sums_ref[...] / jnp.maximum(cnt_ref[...], 1.0)
        zz = jnp.dot(pooled, hw1_ref[...], preferred_element_type=jnp.float32)
        zz = jnp.maximum(zz + hb1_ref[...], 0.0)
        zz = jnp.dot(zz, hw2_ref[...], preferred_element_type=jnp.float32)
        o_ref[...] = zz + hb2_ref[...]


def _tc_layer3_pool_head(h, p0, p1, w1, b1, g, be, w2, b2, batch,
                         hw1, hb1, hw2, hb2):
    row_spec = pl.BlockSpec((_BLK3, D), lambda i: (i, 0))
    full = pl.BlockSpec((D, D), lambda i: (0, 0))
    vec = pl.BlockSpec((1, D), lambda i: (0, 0))
    return pl.pallas_call(
        _tc_layer3_pool_head_body,
        grid=(_NB3,),
        in_specs=[row_spec, row_spec, row_spec, full, vec, vec, vec, full,
                  vec,
                  pl.BlockSpec((1, 1, _BLK3), lambda i: (i, 0, 0)),
                  full, vec,
                  pl.BlockSpec((D, 10), lambda i: (0, 0)),
                  pl.BlockSpec((1, 10), lambda i: (0, 0))],
        out_specs=pl.BlockSpec((G, 10), lambda i: (0, 0)),
        out_shape=jax.ShapeDtypeStruct((G, 10), jnp.float32),
        scratch_shapes=[pltpu.VMEM((G, D), jnp.float32),
                        pltpu.VMEM((G, 1), jnp.float32)],
    )(h, p0, p1, w1, b1.reshape(1, D), g.reshape(1, D), be.reshape(1, D),
      w2, b2.reshape(1, D), batch.reshape(_NB3, 1, _BLK3),
      hw1, hb1.reshape(1, D), hw2, hb2.reshape(1, 10))


@jax.jit
def kernel(x, edge_index, batch, conv_W1, conv_b1, conv_gamma, conv_beta,
           conv_W2, conv_b2, head_W1, head_b1, head_W2, head_b2):
    src = edge_index[0].reshape(NC, NS, EPT)
    dst = edge_index[1].reshape(NC, NS, NCHUNK, CHUNK)
    zeros = jnp.zeros((RPT, D), dtype=jnp.float32)
    h0 = x
    for i in range(2):
        p = _sc_agg(h0, src, dst, zeros).reshape(NC, N, D)
        h0 = _tc_layer(h0, p[0], p[1], conv_W1[i], conv_b1[i],
                       conv_gamma[i], conv_beta[i], conv_W2[i], conv_b2[i])
    p = _sc_agg(h0, src, dst, zeros).reshape(NC, N, D)
    return _tc_layer3_pool_head(h0, p[0], p[1], conv_W1[2], conv_b1[2],
                                conv_gamma[2], conv_beta[2], conv_W2[2],
                                conv_b2[2], batch, head_W1, head_b1,
                                head_W2, head_b2)

# --- scband reference (transcript-rebuilt; emitter-appended) ---
"""Pipeline reference for scband-gin-20890720928313 (READ-ONLY COPY).

The authoritative reference and input builder live on the scoring server;
editing this copy changes nothing except your own understanding.
"""

import jax, jax.numpy as jnp
import numpy as np

N_NODES = 10000
N_EDGES = 320000
D_IN = 128
D_H = 128
D_OUT = 10
N_LAYERS = 3
N_GRAPHS = 64
BN_EPS = 1e-5


def setup_inputs(seed: int = 0):
    key = jax.random.key(seed)
    ks = jax.random.split(key, 16)
    inp = {}
    inp["x"] = jax.random.normal(ks[0], (N_NODES, D_IN), dtype=jnp.float32)
    inp["edge_index"] = jax.random.randint(ks[1], (2, N_EDGES), 0, N_NODES, dtype=jnp.int32)
    inp["batch"] = jnp.sort(jax.random.randint(ks[2], (N_NODES,), 0, N_GRAPHS, dtype=jnp.int32))
    # GINConv internal MLP params: Linear(in,h) -> BatchNorm(h) -> ReLU -> Linear(h,h), stacked over layers
    inp["conv_W1"] = jax.random.normal(ks[3], (N_LAYERS, D_IN, D_H), dtype=jnp.float32) * 0.05
    inp["conv_b1"] = jnp.zeros((N_LAYERS, D_H), dtype=jnp.float32)
    inp["conv_gamma"] = jnp.ones((N_LAYERS, D_H), dtype=jnp.float32)
    inp["conv_beta"] = jnp.zeros((N_LAYERS, D_H), dtype=jnp.float32)
    inp["conv_W2"] = jax.random.normal(ks[4], (N_LAYERS, D_H, D_H), dtype=jnp.float32) * 0.05
    inp["conv_b2"] = jnp.zeros((N_LAYERS, D_H), dtype=jnp.float32)
    # Head MLP([h, h, out], norm=None, dropout=0.4) -- eval mode so dropout is identity
    inp["head_W1"] = jax.random.normal(ks[5], (D_H, D_H), dtype=jnp.float32) * 0.05
    inp["head_b1"] = jnp.zeros((D_H,), dtype=jnp.float32)
    inp["head_W2"] = jax.random.normal(ks[6], (D_H, D_OUT), dtype=jnp.float32) * 0.05
    inp["head_b2"] = jnp.zeros((D_OUT,), dtype=jnp.float32)
    return inp


def reference(x, edge_index, batch, conv_W1, conv_b1, conv_gamma, conv_beta, conv_W2, conv_b2, head_W1, head_b1, head_W2, head_b2):
    N = x.shape[0]
    src = edge_index[0]
    dst = edge_index[1]
    h = x
    for i in range(N_LAYERS):
        # GINConv (train_eps=False, eps=0): mlp((1+eps)*x + sum_{j in N(i)} x_j)
        agg = jax.ops.segment_sum(h[src], dst, num_segments=N)
        z = h + agg
        z = z @ conv_W1[i] + conv_b1[i]
        # BatchNorm1d eval mode (running_mean=0, running_var=1)
        z = (z / jnp.sqrt(1.0 + BN_EPS)) * conv_gamma[i] + conv_beta[i]
        z = jax.nn.relu(z)
        z = z @ conv_W2[i] + conv_b2[i]
        h = jax.nn.relu(z)
    # global_mean_pool over graph ids in `batch`
    sums = jax.ops.segment_sum(h, batch, num_segments=N_GRAPHS)
    cnts = jax.ops.segment_sum(jnp.ones((N, 1), dtype=h.dtype), batch, num_segments=N_GRAPHS)
    pooled = sums / jnp.maximum(cnts, 1.0)
    # head MLP: Linear -> ReLU -> (dropout: identity in eval) -> Linear
    o = jax.nn.relu(pooled @ head_W1 + head_b1)
    o = o @ head_W2 + head_b2
    return o

if __name__ == "__main__":
    import jax
    _d = setup_inputs()
    print(jax.jit(kernel)(*tuple(_d.values())))

</pallas_src>

<mosaic_0001>
#map = affine_map<(d0, d1) -> (0, 0)>
#map1 = affine_map<(d0, d1) -> (0, 0, 0)>
#map2 = affine_map<(d0, d1) -> (0, 0, 0, 0)>
module attributes {stable_mosaic.version = 14 : i64} {
  func.func @_sc_agg_body(%arg0: i32, %arg1: i32, %arg2: memref<10000x128xf32, #tpu.memory_space<hbm>>, %arg3: memref<2x16x10000xi32, #tpu.memory_space<hbm>>, %arg4: memref<2x16x125x80xi32, #tpu.memory_space<hbm>>, %arg5: memref<625x128xf32, #tpu.memory_space<hbm>>, %arg6: memref<2x16x625x128xf32, #tpu.memory_space<hbm>>, %arg7: memref<10000x128xf32, #tpu.memory_space<vmem_shared>>, %arg8: memref<10000xi32, #tpu.memory_space<vmem>>, %arg9: memref<125x80xi32, #tpu.memory_space<vmem>>, %arg10: memref<80x128xf32, #tpu.memory_space<vmem>>, %arg11: memref<80x128xf32, #tpu.memory_space<vmem>>, %arg12: memref<!tpu.dma_semaphore, #tpu.memory_space<semaphore_mem>>, %arg13: memref<!tpu.dma_semaphore, #tpu.memory_space<semaphore_mem>>) attributes {dimension_semantics = [#tpu.dimension_semantics<core_parallel>, #tpu.dimension_semantics<subcore_parallel>], iteration_bounds = array<i64: 2, 16>, scalar_prefetch = 0 : i64, scratch_operands = 7 : i64, tpu.core_type = #tpu.core_type<sc_vector_subcore>, window_params = [{transform_indices = #map}, {transform_indices = #map1}, {transform_indices = #map2}, {transform_indices = #map}, {transform_indices = #map2}]} {
    %mul3A = arith.constant 625 : i32
    %mul3A_0 = arith.muli %arg1, %mul3A : i32
    "tpu.region"() ({
      %run_scoped3A_17 = tpu.sem_alloc : memref<!tpu.dma_semaphore, #tpu.memory_space<semaphore_mem>>
      %dma_start3A_18 = arith.constant 0 : i32
      %dma_start3A_19 = tpu.memref_slice %arg7[%mul3A_0, %dma_start3A_18] : memref<10000x128xf32, #tpu.memory_space<vmem_shared>> -> memref<625x128xf32, #tpu.memory_space<vmem_shared>>
      tpu.enqueue_dma source(%arg5 : memref<625x128xf32, #tpu.memory_space<hbm>>) target(%dma_start3A_19 : memref<625x128xf32, #tpu.memory_space<vmem_shared>>) target_semaphore(%run_scoped3A_17 : memref<!tpu.dma_semaphore, #tpu.memory_space<semaphore_mem>>)
      %dma_wait3A_20 = arith.constant 0 : i32
      %dma_wait3A_21 = tpu.memref_slice %arg7[%mul3A_0, %dma_wait3A_20] : memref<10000x128xf32, #tpu.memory_space<vmem_shared>> -> memref<625x128xf32, #tpu.memory_space<vmem_shared>>
      tpu.wait_dma2 semaphore(%run_scoped3A_17 : memref<!tpu.dma_semaphore, #tpu.memory_space<semaphore_mem>>) src(%arg5 : memref<625x128xf32, #tpu.memory_space<hbm>>) dst(%dma_wait3A_21 : memref<625x128xf32, #tpu.memory_space<vmem_shared>>)
      tpu.yield
    }) : () -> ()
    "tpu.region"() ({
      %run_scoped3A_17 = tpu.sem_alloc : memref<!tpu.dma_semaphore, #tpu.memory_space<semaphore_mem>>
      %dma_start3A_18 = arith.constant 0 : i32
      %dma_start3A_19 = tpu.memref_slice %arg3[%arg0, %arg1, %dma_start3A_18] : memref<2x16x10000xi32, #tpu.memory_space<hbm>> -> memref<1x1x10000xi32, #tpu.memory_space<hbm>>
      %dma_start3A_20 = tpu.memref_squeeze %dma_start3A_19 : memref<1x1x10000xi32, #tpu.memory_space<hbm>> -> memref<10000xi32, #tpu.memory_space<hbm>>
      %dma_start3A_21 = arith.constant 0 : i32
      %dma_start3A_22 = tpu.memref_slice %arg3[%arg0, %arg1, %dma_start3A_21] : memref<2x16x10000xi32, #tpu.memory_space<hbm>> -> memref<1x1x10000xi32, #tpu.memory_space<hbm>>
      %dma_start3A_23 = tpu.memref_squeeze %dma_start3A_22 : memref<1x1x10000xi32, #tpu.memory_space<hbm>> -> memref<10000xi32, #tpu.memory_space<hbm>>
      tpu.enqueue_dma source(%dma_start3A_23 : memref<10000xi32, #tpu.memory_space<hbm>>) target(%arg8 : memref<10000xi32, #tpu.memory_space<vmem>>) target_semaphore(%run_scoped3A_17 : memref<!tpu.dma_semaphore, #tpu.memory_space<semaphore_mem>>)
      %dma_wait3A_24 = arith.constant 0 : i32
      %dma_wait3A_25 = tpu.memref_slice %arg3[%arg0, %arg1, %dma_wait3A_24] : memref<2x16x10000xi32, #tpu.memory_space<hbm>> -> memref<1x1x10000xi32, #tpu.memory_space<hbm>>
      %dma_wait3A_26 = tpu.memref_squeeze %dma_wait3A_25 : memref<1x1x10000xi32, #tpu.memory_space<hbm>> -> memref<10000xi32, #tpu.memory_space<hbm>>
      %dma_wait3A_27 = arith.constant 0 : i32
      %dma_wait3A_28 = tpu.memref_slice %arg3[%arg0, %arg1, %dma_wait3A_27] : memref<2x16x10000xi32, #tpu.memory_space<hbm>> -> memref<1x1x10000xi32, #tpu.memory_space<hbm>>
      %dma_wait3A_29 = tpu.memref_squeeze %dma_wait3A_28 : memref<1x1x10000xi32, #tpu.memory_space<hbm>> -> memref<10000xi32, #tpu.memory_space<hbm>>
      tpu.wait_dma2 semaphore(%run_scoped3A_17 : memref<!tpu.dma_semaphore, #tpu.memory_space<semaphore_mem>>) src(%dma_wait3A_29 : memref<10000xi32, #tpu.memory_space<hbm>>) dst(%arg8 : memref<10000xi32, #tpu.memory_space<vmem>>)
      tpu.yield
    }) : () -> ()
    "tpu.region"() ({
      %run_scoped3A_17 = tpu.sem_alloc : memref<!tpu.dma_semaphore, #tpu.memory_space<semaphore_mem>>
      %dma_start3A_18 = arith.constant 0 : i32
      %dma_start3A_19 = arith.constant 0 : i32
      %dma_start3A_20 = tpu.memref_slice %arg4[%arg0, %arg1, %dma_start3A_18, %dma_start3A_19] : memref<2x16x125x80xi32, #tpu.memory_space<hbm>> -> memref<1x1x125x80xi32, #tpu.memory_space<hbm>>
      %dma_start3A_21 = tpu.memref_squeeze %dma_start3A_20 : memref<1x1x125x80xi32, #tpu.memory_space<hbm>> -> memref<125x80xi32, #tpu.memory_space<hbm>>
      %dma_start3A_22 = arith.constant 0 : i32
      %dma_start3A_23 = arith.constant 0 : i32
      %dma_start3A_24 = tpu.memref_slice %arg4[%arg0, %arg1, %dma_start3A_22, %dma_start3A_23] : memref<2x16x125x80xi32, #tpu.memory_space<hbm>> -> memref<1x1x125x80xi32, #tpu.memory_space<hbm>>
      %dma_start3A_25 = tpu.memref_squeeze %dma_start3A_24 : memref<1x1x125x80xi32, #tpu.memory_space<hbm>> -> memref<125x80xi32, #tpu.memory_space<hbm>>
      tpu.enqueue_dma source(%dma_start3A_25 : memref<125x80xi32, #tpu.memory_space<hbm>>) target(%arg9 : memref<125x80xi32, #tpu.memory_space<vmem>>) target_semaphore(%run_scoped3A_17 : memref<!tpu.dma_semaphore, #tpu.memory_space<semaphore_mem>>)
      %dma_wait3A_26 = arith.constant 0 : i32
      %dma_wait3A_27 = arith.constant 0 : i32
      %dma_wait3A_28 = tpu.memref_slice %arg4[%arg0, %arg1, %dma_wait3A_26, %dma_wait3A_27] : memref<2x16x125x80xi32, #tpu.memory_space<hbm>> -> memref<1x1x125x80xi32, #tpu.memory_space<hbm>>
      %dma_wait3A_29 = tpu.memref_squeeze %dma_wait3A_28 : memref<1x1x125x80xi32, #tpu.memory_space<hbm>> -> memref<125x80xi32, #tpu.memory_space<hbm>>
      %dma_wait3A_30 = arith.constant 0 : i32
      %dma_wait3A_31 = arith.constant 0 : i32
      %dma_wait3A_32 = tpu.memref_slice %arg4[%arg0, %arg1, %dma_wait3A_30, %dma_wait3A_31] : memref<2x16x125x80xi32, #tpu.memory_space<hbm>> -> memref<1x1x125x80xi32, #tpu.memory_space<hbm>>
      %dma_wait3A_33 = tpu.memref_squeeze %dma_wait3A_32 : memref<1x1x125x80xi32, #tpu.memory_space<hbm>> -> memref<125x80xi32, #tpu.memory_space<hbm>>
      tpu.wait_dma2 semaphore(%run_scoped3A_17 : memref<!tpu.dma_semaphore, #tpu.memory_space<semaphore_mem>>) src(%dma_wait3A_33 : memref<125x80xi32, #tpu.memory_space<hbm>>) dst(%arg9 : memref<125x80xi32, #tpu.memory_space<vmem>>)
      tpu.yield
    }) : () -> ()
    %barrier3A = arith.constant 0 : index
    tpu.barrier barrier_id(%barrier3A)
    %dma_start3A = arith.constant 0 : i32
    %dma_start3A_1 = tpu.memref_slice %arg8[%dma_start3A] : memref<10000xi32, #tpu.memory_space<vmem>> -> memref<80xi32, #tpu.memory_space<vmem>>
    %dma_start3A_2 = arith.constant 0 : i32
    %dma_start3A_3 = arith.constant 0 : i32
    %dma_start3A_4 = tpu.memref_slice %arg2[%dma_start3A_2, %dma_start3A_3] : memref<10000x128xf32, #tpu.memory_space<hbm>> -> memref<10000x128xf32, #tpu.memory_space<hbm>>
    tpu.enqueue_indirect_dma source(%dma_start3A_4 : memref<10000x128xf32, #tpu.memory_space<hbm>>) target(%arg10 : memref<80x128xf32, #tpu.memory_space<vmem>>) offsets(%dma_start3A_1 : memref<80xi32, #tpu.memory_space<vmem>>) semaphore(%arg12 : memref<!tpu.dma_semaphore, #tpu.memory_space<semaphore_mem>>)
    %scan3A = arith.constant 0 : i32
    %scan3A_5 = arith.constant 0 : i32
    %scan3A_6 = arith.constant 62 : i32
    %scan3A_7 = arith.addi %scan3A_5, %scan3A_6 : i32
    %scan3A_8 = arith.constant 1 : i32
    scf.for %scan3A_17 = %scan3A_5 to %scan3A_7 step %scan3A_8  : i32 {
      %mul3A_18 = arith.constant 2 : i32
      %mul3A_19 = arith.muli %mul3A_18, %scan3A_17 : i32
      %add3A = arith.constant 1 : i32
      %add3A_20 = arith.addi %mul3A_19, %add3A : i32
      %mul3A_21 = arith.constant 80 : i32
      %mul3A_22 = arith.muli %add3A_20, %mul3A_21 : i32
      %dma_start3A_23 = tpu.memref_slice %arg8[%mul3A_22] : memref<10000xi32, #tpu.memory_space<vmem>> -> memref<80xi32, #tpu.memory_space<vmem>>
      %dma_start3A_24 = arith.constant 0 : i32
      %dma_start3A_25 = arith.constant 0 : i32
      %dma_start3A_26 = tpu.memref_slice %arg2[%dma_start3A_24, %dma_start3A_25] : memref<10000x128xf32, #tpu.memory_space<hbm>> -> memref<10000x128xf32, #tpu.memory_space<hbm>>
      tpu.enqueue_indirect_dma source(%dma_start3A_26 : memref<10000x128xf32, #tpu.memory_space<hbm>>) target(%arg11 : memref<80x128xf32, #tpu.memory_space<vmem>>) offsets(%dma_start3A_23 : memref<80xi32, #tpu.memory_space<vmem>>) semaphore(%arg13 : memref<!tpu.dma_semaphore, #tpu.memory_space<semaphore_mem>>)
      %mul3A_27 = arith.constant 80 : i32
      %mul3A_28 = arith.muli %mul3A_19, %mul3A_27 : i32
      %dma_wait3A_29 = tpu.memref_slice %arg8[%mul3A_28] : memref<10000xi32, #tpu.memory_space<vmem>> -> memref<80xi32, #tpu.memory_space<vmem>>
      %dma_wait3A_30 = arith.constant 0 : i32
      %dma_wait3A_31 = arith.constant 0 : i32
      %dma_wait3A_32 = tpu.memref_slice %arg2[%dma_wait3A_30, %dma_wait3A_31] : memref<10000x128xf32, #tpu.memory_space<hbm>> -> memref<10000x128xf32, #tpu.memory_space<hbm>>
      tpu.wait_indirect_dma semaphore(%arg12 : memref<!tpu.dma_semaphore, #tpu.memory_space<semaphore_mem>>) src(%dma_wait3A_32 : memref<10000x128xf32, #tpu.memory_space<hbm>>) dst(%arg10 : memref<80x128xf32, #tpu.memory_space<vmem>>)
      "tpu.region"() ({
        %run_scoped3A_51 = tpu.sem_alloc : memref<!tpu.dma_semaphore, #tpu.memory_space<semaphore_mem>>
        %dma_start3A_52 = arith.constant 0 : i32
        %dma_start3A_53 = tpu.memref_slice %arg9[%mul3A_19, %dma_start3A_52] : memref<125x80xi32, #tpu.memory_space<vmem>> -> memref<1x80xi32, #tpu.memory_space<vmem>>
        %dma_start3A_54 = tpu.memref_squeeze %dma_start3A_53 : memref<1x80xi32, #tpu.memory_space<vmem>> -> memref<80xi32, #tpu.memory_space<vmem>>
        %dma_start3A_55 = arith.constant 0 : i32
        %dma_start3A_56 = arith.constant 0 : i32
        %dma_start3A_57 = tpu.memref_slice %arg7[%dma_start3A_55, %dma_start3A_56] : memref<10000x128xf32, #tpu.memory_space<vmem_shared>> -> memref<10000x128xf32, #tpu.memory_space<vmem_shared>>
        tpu.enqueue_indirect_dma source(%arg10 : memref<80x128xf32, #tpu.memory_space<vmem>>) target(%dma_start3A_57 : memref<10000x128xf32, #tpu.memory_space<vmem_shared>>) offsets(%dma_start3A_54 : memref<80xi32, #tpu.memory_space<vmem>>) semaphore(%run_scoped3A_51 : memref<!tpu.dma_semaphore, #tpu.memory_space<semaphore_mem>>) {add = true}
        %dma_wait3A_58 = arith.constant 0 : i32
        %dma_wait3A_59 = tpu.memref_slice %arg9[%mul3A_19, %dma_wait3A_58] : memref<125x80xi32, #tpu.memory_space<vmem>> -> memref<1x80xi32, #tpu.memory_space<vmem>>
        %dma_wait3A_60 = tpu.memref_squeeze %dma_wait3A_59 : memref<1x80xi32, #tpu.memory_space<vmem>> -> memref<80xi32, #tpu.memory_space<vmem>>
        %dma_wait3A_61 = arith.constant 0 : i32
        %dma_wait3A_62 = arith.constant 0 : i32
        %dma_wait3A_63 = tpu.memref_slice %arg7[%dma_wait3A_61, %dma_wait3A_62] : memref<10000x128xf32, #tpu.memory_space<vmem_shared>> -> memref<10000x128xf32, #tpu.memory_space<vmem_shared>>
        tpu.wait_indirect_dma semaphore(%run_scoped3A_51 : memref<!tpu.dma_semaphore, #tpu.memory_space<semaphore_mem>>) src(%arg10 : memref<80x128xf32, #tpu.memory_space<vmem>>) dst(%dma_wait3A_63 : memref<10000x128xf32, #tpu.memory_space<vmem_shared>>)
        tpu.yield
      }) : () -> ()
      %add3A_33 = arith.constant 2 : i32
      %add3A_34 = arith.addi %mul3A_19, %add3A_33 : i32
      %mul3A_35 = arith.constant 80 : i32
      %mul3A_36 = arith.muli %add3A_34, %mul3A_35 : i32
      %dma_start3A_37 = tpu.memref_slice %arg8[%mul3A_36] : memref<10000xi32, #tpu.memory_space<vmem>> -> memref<80xi32, #tpu.memory_space<vmem>>
      %dma_start3A_38 = arith.constant 0 : i32
      %dma_start3A_39 = arith.constant 0 : i32
      %dma_start3A_40 = tpu.memref_slice %arg2[%dma_start3A_38, %dma_start3A_39] : memref<10000x128xf32, #tpu.memory_space<hbm>> -> memref<10000x128xf32, #tpu.memory_space<hbm>>
      tpu.enqueue_indirect_dma source(%dma_start3A_40 : memref<10000x128xf32, #tpu.memory_space<hbm>>) target(%arg10 : memref<80x128xf32, #tpu.memory_space<vmem>>) offsets(%dma_start3A_37 : memref<80xi32, #tpu.memory_space<vmem>>) semaphore(%arg12 : memref<!tpu.dma_semaphore, #tpu.memory_space<semaphore_mem>>)
      %add3A_41 = arith.constant 1 : i32
      %add3A_42 = arith.addi %mul3A_19, %add3A_41 : i32
      %mul3A_43 = arith.constant 80 : i32
      %mul3A_44 = arith.muli %add3A_42, %mul3A_43 : i32
      %dma_wait3A_45 = tpu.memref_slice %arg8[%mul3A_44] : memref<10000xi32, #tpu.memory_space<vmem>> -> memref<80xi32, #tpu.memory_space<vmem>>
      %dma_wait3A_46 = arith.constant 0 : i32
      %dma_wait3A_47 = arith.constant 0 : i32
      %dma_wait3A_48 = tpu.memref_slice %arg2[%dma_wait3A_46, %dma_wait3A_47] : memref<10000x128xf32, #tpu.memory_space<hbm>> -> memref<10000x128xf32, #tpu.memory_space<hbm>>
      tpu.wait_indirect_dma semaphore(%arg13 : memref<!tpu.dma_semaphore, #tpu.memory_space<semaphore_mem>>) src(%dma_wait3A_48 : memref<10000x128xf32, #tpu.memory_space<hbm>>) dst(%arg11 : memref<80x128xf32, #tpu.memory_space<vmem>>)
      %add3A_49 = arith.constant 1 : i32
      %add3A_50 = arith.addi %mul3A_19, %add3A_49 : i32
      "tpu.region"() ({
        %run_scoped3A_51 = tpu.sem_alloc : memref<!tpu.dma_semaphore, #tpu.memory_space<semaphore_mem>>
        %dma_start3A_52 = arith.constant 0 : i32
        %dma_start3A_53 = tpu.memref_slice %arg9[%add3A_50, %dma_start3A_52] : memref<125x80xi32, #tpu.memory_space<vmem>> -> memref<1x80xi32, #tpu.memory_space<vmem>>
        %dma_start3A_54 = tpu.memref_squeeze %dma_start3A_53 : memref<1x80xi32, #tpu.memory_space<vmem>> -> memref<80xi32, #tpu.memory_space<vmem>>
        %dma_start3A_55 = arith.constant 0 : i32
        %dma_start3A_56 = arith.constant 0 : i32
        %dma_start3A_57 = tpu.memref_slice %arg7[%dma_start3A_55, %dma_start3A_56] : memref<10000x128xf32, #tpu.memory_space<vmem_shared>> -> memref<10000x128xf32, #tpu.memory_space<vmem_shared>>
        tpu.enqueue_indirect_dma source(%arg11 : memref<80x128xf32, #tpu.memory_space<vmem>>) target(%dma_start3A_57 : memref<10000x128xf32, #tpu.memory_space<vmem_shared>>) offsets(%dma_start3A_54 : memref<80xi32, #tpu.memory_space<vmem>>) semaphore(%run_scoped3A_51 : memref<!tpu.dma_semaphore, #tpu.memory_space<semaphore_mem>>) {add = true}
        %dma_wait3A_58 = arith.constant 0 : i32
        %dma_wait3A_59 = tpu.memref_slice %arg9[%add3A_50, %dma_wait3A_58] : memref<125x80xi32, #tpu.memory_space<vmem>> -> memref<1x80xi32, #tpu.memory_space<vmem>>
        %dma_wait3A_60 = tpu.memref_squeeze %dma_wait3A_59 : memref<1x80xi32, #tpu.memory_space<vmem>> -> memref<80xi32, #tpu.memory_space<vmem>>
        %dma_wait3A_61 = arith.constant 0 : i32
        %dma_wait3A_62 = arith.constant 0 : i32
        %dma_wait3A_63 = tpu.memref_slice %arg7[%dma_wait3A_61, %dma_wait3A_62] : memref<10000x128xf32, #tpu.memory_space<vmem_shared>> -> memref<10000x128xf32, #tpu.memory_space<vmem_shared>>
        tpu.wait_indirect_dma semaphore(%run_scoped3A_51 : memref<!tpu.dma_semaphore, #tpu.memory_space<semaphore_mem>>) src(%arg11 : memref<80x128xf32, #tpu.memory_space<vmem>>) dst(%dma_wait3A_63 : memref<10000x128xf32, #tpu.memory_space<vmem_shared>>)
        tpu.yield
      }) : () -> ()
    }
    %scan3A_9 = arith.constant 62 : i32
    %dma_wait3A = arith.constant 9920 : i32
    %dma_wait3A_10 = tpu.memref_slice %arg8[%dma_wait3A] : memref<10000xi32, #tpu.memory_space<vmem>> -> memref<80xi32, #tpu.memory_space<vmem>>
    %dma_wait3A_11 = arith.constant 0 : i32
    %dma_wait3A_12 = arith.constant 0 : i32
    %dma_wait3A_13 = tpu.memref_slice %arg2[%dma_wait3A_11, %dma_wait3A_12] : memref<10000x128xf32, #tpu.memory_space<hbm>> -> memref<10000x128xf32, #tpu.memory_space<hbm>>
    tpu.wait_indirect_dma semaphore(%arg12 : memref<!tpu.dma_semaphore, #tpu.memory_space<semaphore_mem>>) src(%dma_wait3A_13 : memref<10000x128xf32, #tpu.memory_space<hbm>>) dst(%arg10 : memref<80x128xf32, #tpu.memory_space<vmem>>)
    %run_scoped3A = arith.constant 124 : i32
    "tpu.region"() ({
      %run_scoped3A_17 = tpu.sem_alloc : memref<!tpu.dma_semaphore, #tpu.memory_space<semaphore_mem>>
      %dma_start3A_18 = arith.constant 0 : i32
      %dma_start3A_19 = tpu.memref_slice %arg9[%run_scoped3A, %dma_start3A_18] : memref<125x80xi32, #tpu.memory_space<vmem>> -> memref<1x80xi32, #tpu.memory_space<vmem>>
      %dma_start3A_20 = tpu.memref_squeeze %dma_start3A_19 : memref<1x80xi32, #tpu.memory_space<vmem>> -> memref<80xi32, #tpu.memory_space<vmem>>
      %dma_start3A_21 = arith.constant 0 : i32
      %dma_start3A_22 = arith.constant 0 : i32
      %dma_start3A_23 = tpu.memref_slice %arg7[%dma_start3A_21, %dma_start3A_22] : memref<10000x128xf32, #tpu.memory_space<vmem_shared>> -> memref<10000x128xf32, #tpu.memory_space<vmem_shared>>
      tpu.enqueue_indirect_dma source(%arg10 : memref<80x128xf32, #tpu.memory_space<vmem>>) target(%dma_start3A_23 : memref<10000x128xf32, #tpu.memory_space<vmem_shared>>) offsets(%dma_start3A_20 : memref<80xi32, #tpu.memory_space<vmem>>) semaphore(%run_scoped3A_17 : memref<!tpu.dma_semaphore, #tpu.memory_space<semaphore_mem>>) {add = true}
      %dma_wait3A_24 = arith.constant 0 : i32
      %dma_wait3A_25 = tpu.memref_slice %arg9[%run_scoped3A, %dma_wait3A_24] : memref<125x80xi32, #tpu.memory_space<vmem>> -> memref<1x80xi32, #tpu.memory_space<vmem>>
      %dma_wait3A_26 = tpu.memref_squeeze %dma_wait3A_25 : memref<1x80xi32, #tpu.memory_space<vmem>> -> memref<80xi32, #tpu.memory_space<vmem>>
      %dma_wait3A_27 = arith.constant 0 : i32
      %dma_wait3A_28 = arith.constant 0 : i32
      %dma_wait3A_29 = tpu.memref_slice %arg7[%dma_wait3A_27, %dma_wait3A_28] : memref<10000x128xf32, #tpu.memory_space<vmem_shared>> -> memref<10000x128xf32, #tpu.memory_space<vmem_shared>>
      tpu.wait_indirect_dma semaphore(%run_scoped3A_17 : memref<!tpu.dma_semaphore, #tpu.memory_space<semaphore_mem>>) src(%arg10 : memref<80x128xf32, #tpu.memory_space<vmem>>) dst(%dma_wait3A_29 : memref<10000x128xf32, #tpu.memory_space<vmem_shared>>)
      tpu.yield
    }) : () -> ()
    %barrier3A_14 = arith.constant 0 : index
    tpu.barrier barrier_id(%barrier3A_14)
    %mul3A_15 = arith.constant 625 : i32
    %mul3A_16 = arith.muli %arg1, %mul3A_15 : i32
    "tpu.region"() ({
      %run_scoped3A_17 = tpu.sem_alloc : memref<!tpu.dma_semaphore, #tpu.memory_space<semaphore_mem>>
      %dma_start3A_18 = arith.constant 0 : i32
      %dma_start3A_19 = arith.constant 0 : i32
      %dma_start3A_20 = tpu.memref_slice %arg6[%arg0, %arg1, %dma_start3A_18, %dma_start3A_19] : memref<2x16x625x128xf32, #tpu.memory_space<hbm>> -> memref<1x1x625x128xf32, #tpu.memory_space<hbm>>
      %dma_start3A_21 = tpu.memref_squeeze %dma_start3A_20 : memref<1x1x625x128xf32, #tpu.memory_space<hbm>> -> memref<625x128xf32, #tpu.memory_space<hbm>>
      %dma_start3A_22 = arith.constant 0 : i32
      %dma_start3A_23 = tpu.memref_slice %arg7[%mul3A_16, %dma_start3A_22] : memref<10000x128xf32, #tpu.memory_space<vmem_shared>> -> memref<625x128xf32, #tpu.memory_space<vmem_shared>>
      tpu.enqueue_dma source(%dma_start3A_23 : memref<625x128xf32, #tpu.memory_space<vmem_shared>>) target(%dma_start3A_21 : memref<625x128xf32, #tpu.memory_space<hbm>>) target_semaphore(%run_scoped3A_17 : memref<!tpu.dma_semaphore, #tpu.memory_space<semaphore_mem>>)
      %dma_wait3A_24 = arith.constant 0 : i32
      %dma_wait3A_25 = arith.constant 0 : i32
      %dma_wait3A_26 = tpu.memref_slice %arg6[%arg0, %arg1, %dma_wait3A_24, %dma_wait3A_25] : memref<2x16x625x128xf32, #tpu.memory_space<hbm>> -> memref<1x1x625x128xf32, #tpu.memory_space<hbm>>
      %dma_wait3A_27 = tpu.memref_squeeze %dma_wait3A_26 : memref<1x1x625x128xf32, #tpu.memory_space<hbm>> -> memref<625x128xf32, #tpu.memory_space<hbm>>
      %dma_wait3A_28 = arith.constant 0 : i32
      %dma_wait3A_29 = tpu.memref_slice %arg7[%mul3A_16, %dma_wait3A_28] : memref<10000x128xf32, #tpu.memory_space<vmem_shared>> -> memref<625x128xf32, #tpu.memory_space<vmem_shared>>
      tpu.wait_dma2 semaphore(%run_scoped3A_17 : memref<!tpu.dma_semaphore, #tpu.memory_space<semaphore_mem>>) src(%dma_wait3A_29 : memref<625x128xf32, #tpu.memory_space<vmem_shared>>) dst(%dma_wait3A_27 : memref<625x128xf32, #tpu.memory_space<hbm>>)
      tpu.yield
    }) : () -> ()
    return
  }
}

#map = affine_map<(d0, d1) -> (0, 0)>
#map1 = affine_map<(d0, d1) -> (0, 0, 0)>
#map2 = affine_map<(d0, d1) -> (0, 0, 0, 0)>
module attributes {stable_mosaic.version = 14 : i64} {
  func.func @_sc_agg_body(%arg0: i32, %arg1: i32, %arg2: memref<10000x128xf32, #tpu.memory_space<hbm>>, %arg3: memref<2x16x10000xi32, #tpu.memory_space<hbm>>, %arg4: memref<2x16x125x80xi32, #tpu.memory_space<hbm>>, %arg5: memref<625x128xf32, #tpu.memory_space<hbm>>, %arg6: memref<2x16x625x128xf32, #tpu.memory_space<hbm>>, %arg7: memref<10000x128xf32, #tpu.memory_space<vmem_shared>>, %arg8: memref<10000xi32, #tpu.memory_space<vmem>>, %arg9: memref<125x80xi32, #tpu.memory_space<vmem>>, %arg10: memref<80x128xf32, #tpu.memory_space<vmem>>, %arg11: memref<80x128xf32, #tpu.memory_space<vmem>>, %arg12: memref<!tpu.dma_semaphore, #tpu.memory_space<semaphore_mem>>, %arg13: memref<!tpu.dma_semaphore, #tpu.memory_space<semaphore_mem>>) attributes {dimension_semantics = [#tpu.dimension_semantics<core_parallel>, #tpu.dimension_semantics<subcore_parallel>], iteration_bounds = array<i64: 2, 16>, scalar_prefetch = 0 : i64, scratch_operands = 7 : i64, tpu.core_type = #tpu.core_type<sc_vector_subcore>, window_params = [{transform_indices = #map}, {transform_indices = #map1}, {transform_indices = #map2}, {transform_indices = #map}, {transform_indices = #map2}]} {
    %mul3A = arith.constant 625 : i32
    %mul3A_0 = arith.muli %arg1, %mul3A : i32
    "tpu.region"() ({
      %run_scoped3A_17 = tpu.sem_alloc : memref<!tpu.dma_semaphore, #tpu.memory_space<semaphore_mem>>
      %dma_start3A_18 = arith.constant 0 : i32
      %dma_start3A_19 = tpu.memref_slice %arg7[%mul3A_0, %dma_start3A_18] : memref<10000x128xf32, #tpu.memory_space<vmem_shared>> -> memref<625x128xf32, #tpu.memory_space<vmem_shared>>
      tpu.enqueue_dma source(%arg5 : memref<625x128xf32, #tpu.memory_space<hbm>>) target(%dma_start3A_19 : memref<625x128xf32, #tpu.memory_space<vmem_shared>>) target_semaphore(%run_scoped3A_17 : memref<!tpu.dma_semaphore, #tpu.memory_space<semaphore_mem>>)
      %dma_wait3A_20 = arith.constant 0 : i32
      %dma_wait3A_21 = tpu.memref_slice %arg7[%mul3A_0, %dma_wait3A_20] : memref<10000x128xf32, #tpu.memory_space<vmem_shared>> -> memref<625x128xf32, #tpu.memory_space<vmem_shared>>
      tpu.wait_dma2 semaphore(%run_scoped3A_17 : memref<!tpu.dma_semaphore, #tpu.memory_space<semaphore_mem>>) src(%arg5 : memref<625x128xf32, #tpu.memory_space<hbm>>) dst(%dma_wait3A_21 : memref<625x128xf32, #tpu.memory_space<vmem_shared>>)
      tpu.yield
    }) : () -> ()
    "tpu.region"() ({
      %run_scoped3A_17 = tpu.sem_alloc : memref<!tpu.dma_semaphore, #tpu.memory_space<semaphore_mem>>
      %dma_start3A_18 = arith.constant 0 : i32
      %dma_start3A_19 = tpu.memref_slice %arg3[%arg0, %arg1, %dma_start3A_18] : memref<2x16x10000xi32, #tpu.memory_space<hbm>> -> memref<1x1x10000xi32, #tpu.memory_space<hbm>>
      %dma_start3A_20 = tpu.memref_squeeze %dma_start3A_19 : memref<1x1x10000xi32, #tpu.memory_space<hbm>> -> memref<10000xi32, #tpu.memory_space<hbm>>
      %dma_start3A_21 = arith.constant 0 : i32
      %dma_start3A_22 = tpu.memref_slice %arg3[%arg0, %arg1, %dma_start3A_21] : memref<2x16x10000xi32, #tpu.memory_space<hbm>> -> memref<1x1x10000xi32, #tpu.memory_space<hbm>>
      %dma_start3A_23 = tpu.memref_squeeze %dma_start3A_22 : memref<1x1x10000xi32, #tpu.memory_space<hbm>> -> memref<10000xi32, #tpu.memory_space<hbm>>
      tpu.enqueue_dma source(%dma_start3A_23 : memref<10000xi32, #tpu.memory_space<hbm>>) target(%arg8 : memref<10000xi32, #tpu.memory_space<vmem>>) target_semaphore(%run_scoped3A_17 : memref<!tpu.dma_semaphore, #tpu.memory_space<semaphore_mem>>)
      %dma_wait3A_24 = arith.constant 0 : i32
      %dma_wait3A_25 = tpu.memref_slice %arg3[%arg0, %arg1, %dma_wait3A_24] : memref<2x16x10000xi32, #tpu.memory_space<hbm>> -> memref<1x1x10000xi32, #tpu.memory_space<hbm>>
      %dma_wait3A_26 = tpu.memref_squeeze %dma_wait3A_25 : memref<1x1x10000xi32, #tpu.memory_space<hbm>> -> memref<10000xi32, #tpu.memory_space<hbm>>
      %dma_wait3A_27 = arith.constant 0 : i32
      %dma_wait3A_28 = tpu.memref_slice %arg3[%arg0, %arg1, %dma_wait3A_27] : memref<2x16x10000xi32, #tpu.memory_space<hbm>> -> memref<1x1x10000xi32, #tpu.memory_space<hbm>>
      %dma_wait3A_29 = tpu.memref_squeeze %dma_wait3A_28 : memref<1x1x10000xi32, #tpu.memory_space<hbm>> -> memref<10000xi32, #tpu.memory_space<hbm>>
      tpu.wait_dma2 semaphore(%run_scoped3A_17 : memref<!tpu.dma_semaphore, #tpu.memory_space<semaphore_mem>>) src(%dma_wait3A_29 : memref<10000xi32, #tpu.memory_space<hbm>>) dst(%arg8 : memref<10000xi32, #tpu.memory_space<vmem>>)
      tpu.yield
    }) : () -> ()
    "tpu.region"() ({
      %run_scoped3A_17 = tpu.sem_alloc : memref<!tpu.dma_semaphore, #tpu.memory_space<semaphore_mem>>
      %dma_start3A_18 = arith.constant 0 : i32
      %dma_start3A_19 = arith.constant 0 : i32
      %dma_start3A_20 = tpu.memref_slice %arg4[%arg0, %arg1, %dma_start3A_18, %dma_start3A_19] : memref<2x16x125x80xi32, #tpu.memory_space<hbm>> -> memref<1x1x125x80xi32, #tpu.memory_space<hbm>>
      %dma_start3A_21 = tpu.memref_squeeze %dma_start3A_20 : memref<1x1x125x80xi32, #tpu.memory_space<hbm>> -> memref<125x80xi32, #tpu.memory_space<hbm>>
      %dma_start3A_22 = arith.constant 0 : i32
      %dma_start3A_23 = arith.constant 0 : i32
      %dma_start3A_24 = tpu.memref_slice %arg4[%arg0, %arg1, %dma_start3A_22, %dma_start3A_23] : memref<2x16x125x80xi32, #tpu.memory_space<hbm>> -> memref<1x1x125x80xi32, #tpu.memory_space<hbm>>
      %dma_start3A_25 = tpu.memref_squeeze %dma_start3A_24 : memref<1x1x125x80xi32, #tpu.memory_space<hbm>> -> memref<125x80xi32, #tpu.memory_space<hbm>>
      tpu.enqueue_dma source(%dma_start3A_25 : memref<125x80xi32, #tpu.memory_space<hbm>>) target(%arg9 : memref<125x80xi32, #tpu.memory_space<vmem>>) target_semaphore(%run_scoped3A_17 : memref<!tpu.dma_semaphore, #tpu.memory_space<semaphore_mem>>)
      %dma_wait3A_26 = arith.constant 0 : i32
      %dma_wait3A_27 = arith.constant 0 : i32
      %dma_wait3A_28 = tpu.memref_slice %arg4[%arg0, %arg1, %dma_wait3A_26, %dma_wait3A_27] : memref<2x16x125x80xi32, #tpu.memory_space<hbm>> -> memref<1x1x125x80xi32, #tpu.memory_space<hbm>>
      %dma_wait3A_29 = tpu.memref_squeeze %dma_wait3A_28 : memref<1x1x125x80xi32, #tpu.memory_space<hbm>> -> memref<125x80xi32, #tpu.memory_space<hbm>>
      %dma_wait3A_30 = arith.constant 0 : i32
      %dma_wait3A_31 = arith.constant 0 : i32
      %dma_wait3A_32 = tpu.memref_slice %arg4[%arg0, %arg1, %dma_wait3A_30, %dma_wait3A_31] : memref<2x16x125x80xi32, #tpu.memory_space<hbm>> -> memref<1x1x125x80xi32, #tpu.memory_space<hbm>>
      %dma_wait3A_33 = tpu.memref_squeeze %dma_wait3A_32 : memref<1x1x125x80xi32, #tpu.memory_space<hbm>> -> memref<125x80xi32, #tpu.memory_space<hbm>>
      tpu.wait_dma2 semaphore(%run_scoped3A_17 : memref<!tpu.dma_semaphore, #tpu.memory_space<semaphore_mem>>) src(%dma_wait3A_33 : memref<125x80xi32, #tpu.memory_space<hbm>>) dst(%arg9 : memref<125x80xi32, #tpu.memory_space<vmem>>)
      tpu.yield
    }) : () -> ()
    %barrier3A = arith.constant 0 : index
    tpu.barrier barrier_id(%barrier3A)
    %dma_start3A = arith.constant 0 : i32
    %dma_start3A_1 = tpu.memref_slice %arg8[%dma_start3A] : memref<10000xi32, #tpu.memory_space<vmem>> -> memref<80xi32, #tpu.memory_space<vmem>>
    %dma_start3A_2 = arith.constant 0 : i32
    %dma_start3A_3 = arith.constant 0 : i32
    %dma_start3A_4 = tpu.memref_slice %arg2[%dma_start3A_2, %dma_start3A_3] : memref<10000x128xf32, #tpu.memory_space<hbm>> -> memref<10000x128xf32, #tpu.memory_space<hbm>>
    tpu.enqueue_indirect_dma source(%dma_start3A_4 : memref<10000x128xf32, #tpu.memory_space<hbm>>) target(%arg10 : memref<80x128xf32, #tpu.memory_space<vmem>>) offsets(%dma_start3A_1 : memref<80xi32, #tpu.memory_space<vmem>>) semaphore(%arg12 : memref<!tpu.dma_semaphore, #tpu.memory_space<semaphore_mem>>)
    %scan3A = arith.constant 0 : i32
    %scan3A_5 = arith.constant 0 : i32
    %scan3A_6 = arith.constant 62 : i32
    %scan3A_7 = arith.addi %scan3A_5, %scan3A_6 : i32
    %scan3A_8 = arith.constant 1 : i32
    scf.for %scan3A_17 = %scan3A_5 to %scan3A_7 step %scan3A_8  : i32 {
      %mul3A_18 = arith.constant 2 : i32
      %mul3A_19 = arith.muli %mul3A_18, %scan3A_17 : i32
      %add3A = arith.constant 1 : i32
      %add3A_20 = arith.addi %mul3A_19, %add3A : i32
      %mul3A_21 = arith.constant 80 : i32
      %mul3A_22 = arith.muli %add3A_20, %mul3A_21 : i32
      %dma_start3A_23 = tpu.memref_slice %arg8[%mul3A_22] : memref<10000xi32, #tpu.memory_space<vmem>> -> memref<80xi32, #tpu.memory_space<vmem>>
      %dma_start3A_24 = arith.constant 0 : i32
      %dma_start3A_25 = arith.constant 0 : i32
      %dma_start3A_26 = tpu.memref_slice %arg2[%dma_start3A_24, %dma_start3A_25] : memref<10000x128xf32, #tpu.memory_space<hbm>> -> memref<10000x128xf32, #tpu.memory_space<hbm>>
      tpu.enqueue_indirect_dma source(%dma_start3A_26 : memref<10000x128xf32, #tpu.memory_space<hbm>>) target(%arg11 : memref<80x128xf32, #tpu.memory_space<vmem>>) offsets(%dma_start3A_23 : memref<80xi32, #tpu.memory_space<vmem>>) semaphore(%arg13 : memref<!tpu.dma_semaphore, #tpu.memory_space<semaphore_mem>>)
      %mul3A_27 = arith.constant 80 : i32
      %mul3A_28 = arith.muli %mul3A_19, %mul3A_27 : i32
      %dma_wait3A_29 = tpu.memref_slice %arg8[%mul3A_28] : memref<10000xi32, #tpu.memory_space<vmem>> -> memref<80xi32, #tpu.memory_space<vmem>>
      %dma_wait3A_30 = arith.constant 0 : i32
      %dma_wait3A_31 = arith.constant 0 : i32
      %dma_wait3A_32 = tpu.memref_slice %arg2[%dma_wait3A_30, %dma_wait3A_31] : memref<10000x128xf32, #tpu.memory_space<hbm>> -> memref<10000x128xf32, #tpu.memory_space<hbm>>
      tpu.wait_indirect_dma semaphore(%arg12 : memref<!tpu.dma_semaphore, #tpu.memory_space<semaphore_mem>>) src(%dma_wait3A_32 : memref<10000x128xf32, #tpu.memory_space<hbm>>) dst(%arg10 : memref<80x128xf32, #tpu.memory_space<vmem>>)
      "tpu.region"() ({
        %run_scoped3A_51 = tpu.sem_alloc : memref<!tpu.dma_semaphore, #tpu.memory_space<semaphore_mem>>
        %dma_start3A_52 = arith.constant 0 : i32
        %dma_start3A_53 = tpu.memref_slice %arg9[%mul3A_19, %dma_start3A_52] : memref<125x80xi32, #tpu.memory_space<vmem>> -> memref<1x80xi32, #tpu.memory_space<vmem>>
        %dma_start3A_54 = tpu.memref_squeeze %dma_start3A_53 : memref<1x80xi32, #tpu.memory_space<vmem>> -> memref<80xi32, #tpu.memory_space<vmem>>
        %dma_start3A_55 = arith.constant 0 : i32
        %dma_start3A_56 = arith.constant 0 : i32
        %dma_start3A_57 = tpu.memref_slice %arg7[%dma_start3A_55, %dma_start3A_56] : memref<10000x128xf32, #tpu.memory_space<vmem_shared>> -> memref<10000x128xf32, #tpu.memory_space<vmem_shared>>
        tpu.enqueue_indirect_dma source(%arg10 : memref<80x128xf32, #tpu.memory_space<vmem>>) target(%dma_start3A_57 : memref<10000x128xf32, #tpu.memory_space<vmem_shared>>) offsets(%dma_start3A_54 : memref<80xi32, #tpu.memory_space<vmem>>) semaphore(%run_scoped3A_51 : memref<!tpu.dma_semaphore, #tpu.memory_space<semaphore_mem>>) {add = true}
        %dma_wait3A_58 = arith.constant 0 : i32
        %dma_wait3A_59 = tpu.memref_slice %arg9[%mul3A_19, %dma_wait3A_58] : memref<125x80xi32, #tpu.memory_space<vmem>> -> memref<1x80xi32, #tpu.memory_space<vmem>>
        %dma_wait3A_60 = tpu.memref_squeeze %dma_wait3A_59 : memref<1x80xi32, #tpu.memory_space<vmem>> -> memref<80xi32, #tpu.memory_space<vmem>>
        %dma_wait3A_61 = arith.constant 0 : i32
        %dma_wait3A_62 = arith.constant 0 : i32
        %dma_wait3A_63 = tpu.memref_slice %arg7[%dma_wait3A_61, %dma_wait3A_62] : memref<10000x128xf32, #tpu.memory_space<vmem_shared>> -> memref<10000x128xf32, #tpu.memory_space<vmem_shared>>
        tpu.wait_indirect_dma semaphore(%run_scoped3A_51 : memref<!tpu.dma_semaphore, #tpu.memory_space<semaphore_mem>>) src(%arg10 : memref<80x128xf32, #tpu.memory_space<vmem>>) dst(%dma_wait3A_63 : memref<10000x128xf32, #tpu.memory_space<vmem_shared>>)
        tpu.yield
      }) : () -> ()
      %add3A_33 = arith.constant 2 : i32
      %add3A_34 = arith.addi %mul3A_19, %add3A_33 : i32
      %mul3A_35 = arith.constant 80 : i32
      %mul3A_36 = arith.muli %add3A_34, %mul3A_35 : i32
      %dma_start3A_37 = tpu.memref_slice %arg8[%mul3A_36] : memref<10000xi32, #tpu.memory_space<vmem>> -> memref<80xi32, #tpu.memory_space<vmem>>
      %dma_start3A_38 = arith.constant 0 : i32
      %dma_start3A_39 = arith.constant 0 : i32
      %dma_start3A_40 = tpu.memref_slice %arg2[%dma_start3A_38, %dma_start3A_39] : memref<10000x128xf32, #tpu.memory_space<hbm>> -> memref<10000x128xf32, #tpu.memory_space<hbm>>
      tpu.enqueue_indirect_dma source(%dma_start3A_40 : memref<10000x128xf32, #tpu.memory_space<hbm>>) target(%arg10 : memref<80x128xf32, #tpu.memory_space<vmem>>) offsets(%dma_start3A_37 : memref<80xi32, #tpu.memory_space<vmem>>) semaphore(%arg12 : memref<!tpu.dma_semaphore, #tpu.memory_space<semaphore_mem>>)
      %add3A_41 = arith.constant 1 : i32
      %add3A_42 = arith.addi %mul3A_19, %add3A_41 : i32
      %mul3A_43 = arith.constant 80 : i32
      %mul3A_44 = arith.muli %add3A_42, %mul3A_43 : i32
      %dma_wait3A_45 = tpu.memref_slice %arg8[%mul3A_44] : memref<10000xi32, #tpu.memory_space<vmem>> -> memref<80xi32, #tpu.memory_space<vmem>>
      %dma_wait3A_46 = arith.constant 0 : i32
      %dma_wait3A_47 = arith.constant 0 : i32
      %dma_wait3A_48 = tpu.memref_slice %arg2[%dma_wait3A_46, %dma_wait3A_47] : memref<10000x128xf32, #tpu.memory_space<hbm>> -> memref<10000x128xf32, #tpu.memory_space<hbm>>
      tpu.wait_indirect_dma semaphore(%arg13 : memref<!tpu.dma_semaphore, #tpu.memory_space<semaphore_mem>>) src(%dma_wait3A_48 : memref<10000x128xf32, #tpu.memory_space<hbm>>) dst(%arg11 : memref<80x128xf32, #tpu.memory_space<vmem>>)
      %add3A_49 = arith.constant 1 : i32
      %add3A_50 = arith.addi %mul3A_19, %add3A_49 : i32
      "tpu.region"() ({
        %run_scoped3A_51 = tpu.sem_alloc : memref<!tpu.dma_semaphore, #tpu.memory_space<semaphore_mem>>
        %dma_start3A_52 = arith.constant 0 : i32
        %dma_start3A_53 = tpu.memref_slice %arg9[%add3A_50, %dma_start3A_52] : memref<125x80xi32, #tpu.memory_space<vmem>> -> memref<1x80xi32, #tpu.memory_space<vmem>>
        %dma_start3A_54 = tpu.memref_squeeze %dma_start3A_53 : memref<1x80xi32, #tpu.memory_space<vmem>> -> memref<80xi32, #tpu.memory_space<vmem>>
        %dma_start3A_55 = arith.constant 0 : i32
        %dma_start3A_56 = arith.constant 0 : i32
        %dma_start3A_57 = tpu.memref_slice %arg7[%dma_start3A_55, %dma_start3A_56] : memref<10000x128xf32, #tpu.memory_space<vmem_shared>> -> memref<10000x128xf32, #tpu.memory_space<vmem_shared>>
        tpu.enqueue_indirect_dma source(%arg11 : memref<80x128xf32, #tpu.memory_space<vmem>>) target(%dma_start3A_57 : memref<10000x128xf32, #tpu.memory_space<vmem_shared>>) offsets(%dma_start3A_54 : memref<80xi32, #tpu.memory_space<vmem>>) semaphore(%run_scoped3A_51 : memref<!tpu.dma_semaphore, #tpu.memory_space<semaphore_mem>>) {add = true}
        %dma_wait3A_58 = arith.constant 0 : i32
        %dma_wait3A_59 = tpu.memref_slice %arg9[%add3A_50, %dma_wait3A_58] : memref<125x80xi32, #tpu.memory_space<vmem>> -> memref<1x80xi32, #tpu.memory_space<vmem>>
        %dma_wait3A_60 = tpu.memref_squeeze %dma_wait3A_59 : memref<1x80xi32, #tpu.memory_space<vmem>> -> memref<80xi32, #tpu.memory_space<vmem>>
        %dma_wait3A_61 = arith.constant 0 : i32
        %dma_wait3A_62 = arith.constant 0 : i32
        %dma_wait3A_63 = tpu.memref_slice %arg7[%dma_wait3A_61, %dma_wait3A_62] : memref<10000x128xf32, #tpu.memory_space<vmem_shared>> -> memref<10000x128xf32, #tpu.memory_space<vmem_shared>>
        tpu.wait_indirect_dma semaphore(%run_scoped3A_51 : memref<!tpu.dma_semaphore, #tpu.memory_space<semaphore_mem>>) src(%arg11 : memref<80x128xf32, #tpu.memory_space<vmem>>) dst(%dma_wait3A_63 : memref<10000x128xf32, #tpu.memory_space<vmem_shared>>)
        tpu.yield
      }) : () -> ()
    }
    %scan3A_9 = arith.constant 62 : i32
    %dma_wait3A = arith.constant 9920 : i32
    %dma_wait3A_10 = tpu.memref_slice %arg8[%dma_wait3A] : memref<10000xi32, #tpu.memory_space<vmem>> -> memref<80xi32, #tpu.memory_space<vmem>>
    %dma_wait3A_11 = arith.constant 0 : i32
    %dma_wait3A_12 = arith.constant 0 : i32
    %dma_wait3A_13 = tpu.memref_slice %arg2[%dma_wait3A_11, %dma_wait3A_12] : memref<10000x128xf32, #tpu.memory_space<hbm>> -> memref<10000x128xf32, #tpu.memory_space<hbm>>
    tpu.wait_indirect_dma semaphore(%arg12 : memref<!tpu.dma_semaphore, #tpu.memory_space<semaphore_mem>>) src(%dma_wait3A_13 : memref<10000x128xf32, #tpu.memory_space<hbm>>) dst(%arg10 : memref<80x128xf32, #tpu.memory_space<vmem>>)
    %run_scoped3A = arith.constant 124 : i32
    "tpu.region"() ({
      %run_scoped3A_17 = tpu.sem_alloc : memref<!tpu.dma_semaphore, #tpu.memory_space<semaphore_mem>>
      %dma_start3A_18 = arith.constant 0 : i32
      %dma_start3A_19 = tpu.memref_slice %arg9[%run_scoped3A, %dma_start3A_18] : memref<125x80xi32, #tpu.memory_space<vmem>> -> memref<1x80xi32, #tpu.memory_space<vmem>>
      %dma_start3A_20 = tpu.memref_squeeze %dma_start3A_19 : memref<1x80xi32, #tpu.memory_space<vmem>> -> memref<80xi32, #tpu.memory_space<vmem>>
      %dma_start3A_21 = arith.constant 0 : i32
      %dma_start3A_22 = arith.constant 0 : i32
      %dma_start3A_23 = tpu.memref_slice %arg7[%dma_start3A_21, %dma_start3A_22] : memref<10000x128xf32, #tpu.memory_space<vmem_shared>> -> memref<10000x128xf32, #tpu.memory_space<vmem_shared>>
      tpu.enqueue_indirect_dma source(%arg10 : memref<80x128xf32, #tpu.memory_space<vmem>>) target(%dma_start3A_23 : memref<10000x128xf32, #tpu.memory_space<vmem_shared>>) offsets(%dma_start3A_20 : memref<80xi32, #tpu.memory_space<vmem>>) semaphore(%run_scoped3A_17 : memref<!tpu.dma_semaphore, #tpu.memory_space<semaphore_mem>>) {add = true}
      %dma_wait3A_24 = arith.constant 0 : i32
      %dma_wait3A_25 = tpu.memref_slice %arg9[%run_scoped3A, %dma_wait3A_24] : memref<125x80xi32, #tpu.memory_space<vmem>> -> memref<1x80xi32, #tpu.memory_space<vmem>>
      %dma_wait3A_26 = tpu.memref_squeeze %dma_wait3A_25 : memref<1x80xi32, #tpu.memory_space<vmem>> -> memref<80xi32, #tpu.memory_space<vmem>>
      %dma_wait3A_27 = arith.constant 0 : i32
      %dma_wait3A_28 = arith.constant 0 : i32
      %dma_wait3A_29 = tpu.memref_slice %arg7[%dma_wait3A_27, %dma_wait3A_28] : memref<10000x128xf32, #tpu.memory_space<vmem_shared>> -> memref<10000x128xf32, #tpu.memory_space<vmem_shared>>
      tpu.wait_indirect_dma semaphore(%run_scoped3A_17 : memref<!tpu.dma_semaphore, #tpu.memory_space<semaphore_mem>>) src(%arg10 : memref<80x128xf32, #tpu.memory_space<vmem>>) dst(%dma_wait3A_29 : memref<10000x128xf32, #tpu.memory_space<vmem_shared>>)
      tpu.yield
    }) : () -> ()
    %barrier3A_14 = arith.constant 0 : index
    tpu.barrier barrier_id(%barrier3A_14)
    %mul3A_15 = arith.constant 625 : i32
    %mul3A_16 = arith.muli %arg1, %mul3A_15 : i32
    "tpu.region"() ({
      %run_scoped3A_17 = tpu.sem_alloc : memref<!tpu.dma_semaphore, #tpu.memory_space<semaphore_mem>>
      %dma_start3A_18 = arith.constant 0 : i32
      %dma_start3A_19 = arith.constant 0 : i32
      %dma_start3A_20 = tpu.memref_slice %arg6[%arg0, %arg1, %dma_start3A_18, %dma_start3A_19] : memref<2x16x625x128xf32, #tpu.memory_space<hbm>> -> memref<1x1x625x128xf32, #tpu.memory_space<hbm>>
      %dma_start3A_21 = tpu.memref_squeeze %dma_start3A_20 : memref<1x1x625x128xf32, #tpu.memory_space<hbm>> -> memref<625x128xf32, #tpu.memory_space<hbm>>
      %dma_start3A_22 = arith.constant 0 : i32
      %dma_start3A_23 = tpu.memref_slice %arg7[%mul3A_16, %dma_start3A_22] : memref<10000x128xf32, #tpu.memory_space<vmem_shared>> -> memref<625x128xf32, #tpu.memory_space<vmem_shared>>
      tpu.enqueue_dma source(%dma_start3A_23 : memref<625x128xf32, #tpu.memory_space<vmem_shared>>) target(%dma_start3A_21 : memref<625x128xf32, #tpu.memory_space<hbm>>) target_semaphore(%run_scoped3A_17 : memref<!tpu.dma_semaphore, #tpu.memory_space<semaphore_mem>>)
      %dma_wait3A_24 = arith.constant 0 : i32
      %dma_wait3A_25 = arith.constant 0 : i32
      %dma_wait3A_26 = tpu.memref_slice %arg6[%arg0, %arg1, %dma_wait3A_24, %dma_wait3A_25] : memref<2x16x625x128xf32, #tpu.memory_space<hbm>> -> memref<1x1x625x128xf32, #tpu.memory_space<hbm>>
      %dma_wait3A_27 = tpu.memref_squeeze %dma_wait3A_26 : memref<1x1x625x128xf32, #tpu.memory_space<hbm>> -> memref<625x128xf32, #tpu.memory_space<hbm>>
      %dma_wait3A_28 = arith.constant 0 : i32
      %dma_wait3A_29 = tpu.memref_slice %arg7[%mul3A_16, %dma_wait3A_28] : memref<10000x128xf32, #tpu.memory_space<vmem_shared>> -> memref<625x128xf32, #tpu.memory_space<vmem_shared>>
      tpu.wait_dma2 semaphore(%run_scoped3A_17 : memref<!tpu.dma_semaphore, #tpu.memory_space<semaphore_mem>>) src(%dma_wait3A_29 : memref<625x128xf32, #tpu.memory_space<vmem_shared>>) dst(%dma_wait3A_27 : memref<625x128xf32, #tpu.memory_space<hbm>>)
      tpu.yield
    }) : () -> ()
    return
  }
}

#map = affine_map<(d0, d1) -> (0, 0)>
#map1 = affine_map<(d0, d1) -> (0, 0, 0)>
#map2 = affine_map<(d0, d1) -> (0, 0, 0, 0)>
module attributes {stable_mosaic.version = 14 : i64} {
  func.func @_sc_agg_body(%arg0: i32, %arg1: i32, %arg2: memref<10000x128xf32, #tpu.memory_space<hbm>>, %arg3: memref<2x16x10000xi32, #tpu.memory_space<hbm>>, %arg4: memref<2x16x125x80xi32, #tpu.memory_space<hbm>>, %arg5: memref<625x128xf32, #tpu.memory_space<hbm>>, %arg6: memref<2x16x625x128xf32, #tpu.memory_space<hbm>>, %arg7: memref<10000x128xf32, #tpu.memory_space<vmem_shared>>, %arg8: memref<10000xi32, #tpu.memory_space<vmem>>, %arg9: memref<125x80xi32, #tpu.memory_space<vmem>>, %arg10: memref<80x128xf32, #tpu.memory_space<vmem>>, %arg11: memref<80x128xf32, #tpu.memory_space<vmem>>, %arg12: memref<!tpu.dma_semaphore, #tpu.memory_space<semaphore_mem>>, %arg13: memref<!tpu.dma_semaphore, #tpu.memory_space<semaphore_mem>>) attributes {dimension_semantics = [#tpu.dimension_semantics<core_parallel>, #tpu.dimension_semantics<subcore_parallel>], iteration_bounds = array<i64: 2, 16>, scalar_prefetch = 0 : i64, scratch_operands = 7 : i64, tpu.core_type = #tpu.core_type<sc_vector_subcore>, window_params = [{transform_indices = #map}, {transform_indices = #map1}, {transform_indices = #map2}, {transform_indices = #map}, {transform_indices = #map2}]} {
    %mul3A = arith.constant 625 : i32
    %mul3A_0 = arith.muli %arg1, %mul3A : i32
    "tpu.region"() ({
      %run_scoped3A_17 = tpu.sem_alloc : memref<!tpu.dma_semaphore, #tpu.memory_space<semaphore_mem>>
      %dma_start3A_18 = arith.constant 0 : i32
      %dma_start3A_19 = tpu.memref_slice %arg7[%mul3A_0, %dma_start3A_18] : memref<10000x128xf32, #tpu.memory_space<vmem_shared>> -> memref<625x128xf32, #tpu.memory_space<vmem_shared>>
      tpu.enqueue_dma source(%arg5 : memref<625x128xf32, #tpu.memory_space<hbm>>) target(%dma_start3A_19 : memref<625x128xf32, #tpu.memory_space<vmem_shared>>) target_semaphore(%run_scoped3A_17 : memref<!tpu.dma_semaphore, #tpu.memory_space<semaphore_mem>>)
      %dma_wait3A_20 = arith.constant 0 : i32
      %dma_wait3A_21 = tpu.memref_slice %arg7[%mul3A_0, %dma_wait3A_20] : memref<10000x128xf32, #tpu.memory_space<vmem_shared>> -> memref<625x128xf32, #tpu.memory_space<vmem_shared>>
      tpu.wait_dma2 semaphore(%run_scoped3A_17 : memref<!tpu.dma_semaphore, #tpu.memory_space<semaphore_mem>>) src(%arg5 : memref<625x128xf32, #tpu.memory_space<hbm>>) dst(%dma_wait3A_21 : memref<625x128xf32, #tpu.memory_space<vmem_shared>>)
      tpu.yield
    }) : () -> ()
    "tpu.region"() ({
      %run_scoped3A_17 = tpu.sem_alloc : memref<!tpu.dma_semaphore, #tpu.memory_space<semaphore_mem>>
      %dma_start3A_18 = arith.constant 0 : i32
      %dma_start3A_19 = tpu.memref_slice %arg3[%arg0, %arg1, %dma_start3A_18] : memref<2x16x10000xi32, #tpu.memory_space<hbm>> -> memref<1x1x10000xi32, #tpu.memory_space<hbm>>
      %dma_start3A_20 = tpu.memref_squeeze %dma_start3A_19 : memref<1x1x10000xi32, #tpu.memory_space<hbm>> -> memref<10000xi32, #tpu.memory_space<hbm>>
      %dma_start3A_21 = arith.constant 0 : i32
      %dma_start3A_22 = tpu.memref_slice %arg3[%arg0, %arg1, %dma_start3A_21] : memref<2x16x10000xi32, #tpu.memory_space<hbm>> -> memref<1x1x10000xi32, #tpu.memory_space<hbm>>
      %dma_start3A_23 = tpu.memref_squeeze %dma_start3A_22 : memref<1x1x10000xi32, #tpu.memory_space<hbm>> -> memref<10000xi32, #tpu.memory_space<hbm>>
      tpu.enqueue_dma source(%dma_start3A_23 : memref<10000xi32, #tpu.memory_space<hbm>>) target(%arg8 : memref<10000xi32, #tpu.memory_space<vmem>>) target_semaphore(%run_scoped3A_17 : memref<!tpu.dma_semaphore, #tpu.memory_space<semaphore_mem>>)
      %dma_wait3A_24 = arith.constant 0 : i32
      %dma_wait3A_25 = tpu.memref_slice %arg3[%arg0, %arg1, %dma_wait3A_24] : memref<2x16x10000xi32, #tpu.memory_space<hbm>> -> memref<1x1x10000xi32, #tpu.memory_space<hbm>>
      %dma_wait3A_26 = tpu.memref_squeeze %dma_wait3A_25 : memref<1x1x10000xi32, #tpu.memory_space<hbm>> -> memref<10000xi32, #tpu.memory_space<hbm>>
      %dma_wait3A_27 = arith.constant 0 : i32
      %dma_wait3A_28 = tpu.memref_slice %arg3[%arg0, %arg1, %dma_wait3A_27] : memref<2x16x10000xi32, #tpu.memory_space<hbm>> -> memref<1x1x10000xi32, #tpu.memory_space<hbm>>
      %dma_wait3A_29 = tpu.memref_squeeze %dma_wait3A_28 : memref<1x1x10000xi32, #tpu.memory_space<hbm>> -> memref<10000xi32, #tpu.memory_space<hbm>>
      tpu.wait_dma2 semaphore(%run_scoped3A_17 : memref<!tpu.dma_semaphore, #tpu.memory_space<semaphore_mem>>) src(%dma_wait3A_29 : memref<10000xi32, #tpu.memory_space<hbm>>) dst(%arg8 : memref<10000xi32, #tpu.memory_space<vmem>>)
      tpu.yield
    }) : () -> ()
    "tpu.region"() ({
      %run_scoped3A_17 = tpu.sem_alloc : memref<!tpu.dma_semaphore, #tpu.memory_space<semaphore_mem>>
      %dma_start3A_18 = arith.constant 0 : i32
      %dma_start3A_19 = arith.constant 0 : i32
      %dma_start3A_20 = tpu.memref_slice %arg4[%arg0, %arg1, %dma_start3A_18, %dma_start3A_19] : memref<2x16x125x80xi32, #tpu.memory_space<hbm>> -> memref<1x1x125x80xi32, #tpu.memory_space<hbm>>
      %dma_start3A_21 = tpu.memref_squeeze %dma_start3A_20 : memref<1x1x125x80xi32, #tpu.memory_space<hbm>> -> memref<125x80xi32, #tpu.memory_space<hbm>>
      %dma_start3A_22 = arith.constant 0 : i32
      %dma_start3A_23 = arith.constant 0 : i32
      %dma_start3A_24 = tpu.memref_slice %arg4[%arg0, %arg1, %dma_start3A_22, %dma_start3A_23] : memref<2x16x125x80xi32, #tpu.memory_space<hbm>> -> memref<1x1x125x80xi32, #tpu.memory_space<hbm>>
      %dma_start3A_25 = tpu.memref_squeeze %dma_start3A_24 : memref<1x1x125x80xi32, #tpu.memory_space<hbm>> -> memref<125x80xi32, #tpu.memory_space<hbm>>
      tpu.enqueue_dma source(%dma_start3A_25 : memref<125x80xi32, #tpu.memory_space<hbm>>) target(%arg9 : memref<125x80xi32, #tpu.memory_space<vmem>>) target_semaphore(%run_scoped3A_17 : memref<!tpu.dma_semaphore, #tpu.memory_space<semaphore_mem>>)
      %dma_wait3A_26 = arith.constant 0 : i32
      %dma_wait3A_27 = arith.constant 0 : i32
      %dma_wait3A_28 = tpu.memref_slice %arg4[%arg0, %arg1, %dma_wait3A_26, %dma_wait3A_27] : memref<2x16x125x80xi32, #tpu.memory_space<hbm>> -> memref<1x1x125x80xi32, #tpu.memory_space<hbm>>
      %dma_wait3A_29 = tpu.memref_squeeze %dma_wait3A_28 : memref<1x1x125x80xi32, #tpu.memory_space<hbm>> -> memref<125x80xi32, #tpu.memory_space<hbm>>
      %dma_wait3A_30 = arith.constant 0 : i32
      %dma_wait3A_31 = arith.constant 0 : i32
      %dma_wait3A_32 = tpu.memref_slice %arg4[%arg0, %arg1, %dma_wait3A_30, %dma_wait3A_31] : memref<2x16x125x80xi32, #tpu.memory_space<hbm>> -> memref<1x1x125x80xi32, #tpu.memory_space<hbm>>
      %dma_wait3A_33 = tpu.memref_squeeze %dma_wait3A_32 : memref<1x1x125x80xi32, #tpu.memory_space<hbm>> -> memref<125x80xi32, #tpu.memory_space<hbm>>
      tpu.wait_dma2 semaphore(%run_scoped3A_17 : memref<!tpu.dma_semaphore, #tpu.memory_space<semaphore_mem>>) src(%dma_wait3A_33 : memref<125x80xi32, #tpu.memory_space<hbm>>) dst(%arg9 : memref<125x80xi32, #tpu.memory_space<vmem>>)
      tpu.yield
    }) : () -> ()
    %barrier3A = arith.constant 0 : index
    tpu.barrier barrier_id(%barrier3A)
    %dma_start3A = arith.constant 0 : i32
    %dma_start3A_1 = tpu.memref_slice %arg8[%dma_start3A] : memref<10000xi32, #tpu.memory_space<vmem>> -> memref<80xi32, #tpu.memory_space<vmem>>
    %dma_start3A_2 = arith.constant 0 : i32
    %dma_start3A_3 = arith.constant 0 : i32
    %dma_start3A_4 = tpu.memref_slice %arg2[%dma_start3A_2, %dma_start3A_3] : memref<10000x128xf32, #tpu.memory_space<hbm>> -> memref<10000x128xf32, #tpu.memory_space<hbm>>
    tpu.enqueue_indirect_dma source(%dma_start3A_4 : memref<10000x128xf32, #tpu.memory_space<hbm>>) target(%arg10 : memref<80x128xf32, #tpu.memory_space<vmem>>) offsets(%dma_start3A_1 : memref<80xi32, #tpu.memory_space<vmem>>) semaphore(%arg12 : memref<!tpu.dma_semaphore, #tpu.memory_space<semaphore_mem>>)
    %scan3A = arith.constant 0 : i32
    %scan3A_5 = arith.constant 0 : i32
    %scan3A_6 = arith.constant 62 : i32
    %scan3A_7 = arith.addi %scan3A_5, %scan3A_6 : i32
    %scan3A_8 = arith.constant 1 : i32
    scf.for %scan3A_17 = %scan3A_5 to %scan3A_7 step %scan3A_8  : i32 {
      %mul3A_18 = arith.constant 2 : i32
      %mul3A_19 = arith.muli %mul3A_18, %scan3A_17 : i32
      %add3A = arith.constant 1 : i32
      %add3A_20 = arith.addi %mul3A_19, %add3A : i32
      %mul3A_21 = arith.constant 80 : i32
      %mul3A_22 = arith.muli %add3A_20, %mul3A_21 : i32
      %dma_start3A_23 = tpu.memref_slice %arg8[%mul3A_22] : memref<10000xi32, #tpu.memory_space<vmem>> -> memref<80xi32, #tpu.memory_space<vmem>>
      %dma_start3A_24 = arith.constant 0 : i32
      %dma_start3A_25 = arith.constant 0 : i32
      %dma_start3A_26 = tpu.memref_slice %arg2[%dma_start3A_24, %dma_start3A_25] : memref<10000x128xf32, #tpu.memory_space<hbm>> -> memref<10000x128xf32, #tpu.memory_space<hbm>>
      tpu.enqueue_indirect_dma source(%dma_start3A_26 : memref<10000x128xf32, #tpu.memory_space<hbm>>) target(%arg11 : memref<80x128xf32, #tpu.memory_space<vmem>>) offsets(%dma_start3A_23 : memref<80xi32, #tpu.memory_space<vmem>>) semaphore(%arg13 : memref<!tpu.dma_semaphore, #tpu.memory_space<semaphore_mem>>)
      %mul3A_27 = arith.constant 80 : i32
      %mul3A_28 = arith.muli %mul3A_19, %mul3A_27 : i32
      %dma_wait3A_29 = tpu.memref_slice %arg8[%mul3A_28] : memref<10000xi32, #tpu.memory_space<vmem>> -> memref<80xi32, #tpu.memory_space<vmem>>
      %dma_wait3A_30 = arith.constant 0 : i32
      %dma_wait3A_31 = arith.constant 0 : i32
      %dma_wait3A_32 = tpu.memref_slice %arg2[%dma_wait3A_30, %dma_wait3A_31] : memref<10000x128xf32, #tpu.memory_space<hbm>> -> memref<10000x128xf32, #tpu.memory_space<hbm>>
      tpu.wait_indirect_dma semaphore(%arg12 : memref<!tpu.dma_semaphore, #tpu.memory_space<semaphore_mem>>) src(%dma_wait3A_32 : memref<10000x128xf32, #tpu.memory_space<hbm>>) dst(%arg10 : memref<80x128xf32, #tpu.memory_space<vmem>>)
      "tpu.region"() ({
        %run_scoped3A_51 = tpu.sem_alloc : memref<!tpu.dma_semaphore, #tpu.memory_space<semaphore_mem>>
        %dma_start3A_52 = arith.constant 0 : i32
        %dma_start3A_53 = tpu.memref_slice %arg9[%mul3A_19, %dma_start3A_52] : memref<125x80xi32, #tpu.memory_space<vmem>> -> memref<1x80xi32, #tpu.memory_space<vmem>>
        %dma_start3A_54 = tpu.memref_squeeze %dma_start3A_53 : memref<1x80xi32, #tpu.memory_space<vmem>> -> memref<80xi32, #tpu.memory_space<vmem>>
        %dma_start3A_55 = arith.constant 0 : i32
        %dma_start3A_56 = arith.constant 0 : i32
        %dma_start3A_57 = tpu.memref_slice %arg7[%dma_start3A_55, %dma_start3A_56] : memref<10000x128xf32, #tpu.memory_space<vmem_shared>> -> memref<10000x128xf32, #tpu.memory_space<vmem_shared>>
        tpu.enqueue_indirect_dma source(%arg10 : memref<80x128xf32, #tpu.memory_space<vmem>>) target(%dma_start3A_57 : memref<10000x128xf32, #tpu.memory_space<vmem_shared>>) offsets(%dma_start3A_54 : memref<80xi32, #tpu.memory_space<vmem>>) semaphore(%run_scoped3A_51 : memref<!tpu.dma_semaphore, #tpu.memory_space<semaphore_mem>>) {add = true}
        %dma_wait3A_58 = arith.constant 0 : i32
        %dma_wait3A_59 = tpu.memref_slice %arg9[%mul3A_19, %dma_wait3A_58] : memref<125x80xi32, #tpu.memory_space<vmem>> -> memref<1x80xi32, #tpu.memory_space<vmem>>
        %dma_wait3A_60 = tpu.memref_squeeze %dma_wait3A_59 : memref<1x80xi32, #tpu.memory_space<vmem>> -> memref<80xi32, #tpu.memory_space<vmem>>
        %dma_wait3A_61 = arith.constant 0 : i32
        %dma_wait3A_62 = arith.constant 0 : i32
        %dma_wait3A_63 = tpu.memref_slice %arg7[%dma_wait3A_61, %dma_wait3A_62] : memref<10000x128xf32, #tpu.memory_space<vmem_shared>> -> memref<10000x128xf32, #tpu.memory_space<vmem_shared>>
        tpu.wait_indirect_dma semaphore(%run_scoped3A_51 : memref<!tpu.dma_semaphore, #tpu.memory_space<semaphore_mem>>) src(%arg10 : memref<80x128xf32, #tpu.memory_space<vmem>>) dst(%dma_wait3A_63 : memref<10000x128xf32, #tpu.memory_space<vmem_shared>>)
        tpu.yield
      }) : () -> ()
      %add3A_33 = arith.constant 2 : i32
      %add3A_34 = arith.addi %mul3A_19, %add3A_33 : i32
      %mul3A_35 = arith.constant 80 : i32
      %mul3A_36 = arith.muli %add3A_34, %mul3A_35 : i32
      %dma_start3A_37 = tpu.memref_slice %arg8[%mul3A_36] : memref<10000xi32, #tpu.memory_space<vmem>> -> memref<80xi32, #tpu.memory_space<vmem>>
      %dma_start3A_38 = arith.constant 0 : i32
      %dma_start3A_39 = arith.constant 0 : i32
      %dma_start3A_40 = tpu.memref_slice %arg2[%dma_start3A_38, %dma_start3A_39] : memref<10000x128xf32, #tpu.memory_space<hbm>> -> memref<10000x128xf32, #tpu.memory_space<hbm>>
      tpu.enqueue_indirect_dma source(%dma_start3A_40 : memref<10000x128xf32, #tpu.memory_space<hbm>>) target(%arg10 : memref<80x128xf32, #tpu.memory_space<vmem>>) offsets(%dma_start3A_37 : memref<80xi32, #tpu.memory_space<vmem>>) semaphore(%arg12 : memref<!tpu.dma_semaphore, #tpu.memory_space<semaphore_mem>>)
      %add3A_41 = arith.constant 1 : i32
      %add3A_42 = arith.addi %mul3A_19, %add3A_41 : i32
      %mul3A_43 = arith.constant 80 : i32
      %mul3A_44 = arith.muli %add3A_42, %mul3A_43 : i32
      %dma_wait3A_45 = tpu.memref_slice %arg8[%mul3A_44] : memref<10000xi32, #tpu.memory_space<vmem>> -> memref<80xi32, #tpu.memory_space<vmem>>
      %dma_wait3A_46 = arith.constant 0 : i32
      %dma_wait3A_47 = arith.constant 0 : i32
      %dma_wait3A_48 = tpu.memref_slice %arg2[%dma_wait3A_46, %dma_wait3A_47] : memref<10000x128xf32, #tpu.memory_space<hbm>> -> memref<10000x128xf32, #tpu.memory_space<hbm>>
      tpu.wait_indirect_dma semaphore(%arg13 : memref<!tpu.dma_semaphore, #tpu.memory_space<semaphore_mem>>) src(%dma_wait3A_48 : memref<10000x128xf32, #tpu.memory_space<hbm>>) dst(%arg11 : memref<80x128xf32, #tpu.memory_space<vmem>>)
      %add3A_49 = arith.constant 1 : i32
      %add3A_50 = arith.addi %mul3A_19, %add3A_49 : i32
      "tpu.region"() ({
        %run_scoped3A_51 = tpu.sem_alloc : memref<!tpu.dma_semaphore, #tpu.memory_space<semaphore_mem>>
        %dma_start3A_52 = arith.constant 0 : i32
        %dma_start3A_53 = tpu.memref_slice %arg9[%add3A_50, %dma_start3A_52] : memref<125x80xi32, #tpu.memory_space<vmem>> -> memref<1x80xi32, #tpu.memory_space<vmem>>
        %dma_start3A_54 = tpu.memref_squeeze %dma_start3A_53 : memref<1x80xi32, #tpu.memory_space<vmem>> -> memref<80xi32, #tpu.memory_space<vmem>>
        %dma_start3A_55 = arith.constant 0 : i32
        %dma_start3A_56 = arith.constant 0 : i32
        %dma_start3A_57 = tpu.memref_slice %arg7[%dma_start3A_55, %dma_start3A_56] : memref<10000x128xf32, #tpu.memory_space<vmem_shared>> -> memref<10000x128xf32, #tpu.memory_space<vmem_shared>>
        tpu.enqueue_indirect_dma source(%arg11 : memref<80x128xf32, #tpu.memory_space<vmem>>) target(%dma_start3A_57 : memref<10000x128xf32, #tpu.memory_space<vmem_shared>>) offsets(%dma_start3A_54 : memref<80xi32, #tpu.memory_space<vmem>>) semaphore(%run_scoped3A_51 : memref<!tpu.dma_semaphore, #tpu.memory_space<semaphore_mem>>) {add = true}
        %dma_wait3A_58 = arith.constant 0 : i32
        %dma_wait3A_59 = tpu.memref_slice %arg9[%add3A_50, %dma_wait3A_58] : memref<125x80xi32, #tpu.memory_space<vmem>> -> memref<1x80xi32, #tpu.memory_space<vmem>>
        %dma_wait3A_60 = tpu.memref_squeeze %dma_wait3A_59 : memref<1x80xi32, #tpu.memory_space<vmem>> -> memref<80xi32, #tpu.memory_space<vmem>>
        %dma_wait3A_61 = arith.constant 0 : i32
        %dma_wait3A_62 = arith.constant 0 : i32
        %dma_wait3A_63 = tpu.memref_slice %arg7[%dma_wait3A_61, %dma_wait3A_62] : memref<10000x128xf32, #tpu.memory_space<vmem_shared>> -> memref<10000x128xf32, #tpu.memory_space<vmem_shared>>
        tpu.wait_indirect_dma semaphore(%run_scoped3A_51 : memref<!tpu.dma_semaphore, #tpu.memory_space<semaphore_mem>>) src(%arg11 : memref<80x128xf32, #tpu.memory_space<vmem>>) dst(%dma_wait3A_63 : memref<10000x128xf32, #tpu.memory_space<vmem_shared>>)
        tpu.yield
      }) : () -> ()
    }
    %scan3A_9 = arith.constant 62 : i32
    %dma_wait3A = arith.constant 9920 : i32
    %dma_wait3A_10 = tpu.memref_slice %arg8[%dma_wait3A] : memref<10000xi32, #tpu.memory_space<vmem>> -> memref<80xi32, #tpu.memory_space<vmem>>
    %dma_wait3A_11 = arith.constant 0 : i32
    %dma_wait3A_12 = arith.constant 0 : i32
    %dma_wait3A_13 = tpu.memref_slice %arg2[%dma_wait3A_11, %dma_wait3A_12] : memref<10000x128xf32, #tpu.memory_space<hbm>> -> memref<10000x128xf32, #tpu.memory_space<hbm>>
    tpu.wait_indirect_dma semaphore(%arg12 : memref<!tpu.dma_semaphore, #tpu.memory_space<semaphore_mem>>) src(%dma_wait3A_13 : memref<10000x128xf32, #tpu.memory_space<hbm>>) dst(%arg10 : memref<80x128xf32, #tpu.memory_space<vmem>>)
    %run_scoped3A = arith.constant 124 : i32
    "tpu.region"() ({
      %run_scoped3A_17 = tpu.sem_alloc : memref<!tpu.dma_semaphore, #tpu.memory_space<semaphore_mem>>
      %dma_start3A_18 = arith.constant 0 : i32
      %dma_start3A_19 = tpu.memref_slice %arg9[%run_scoped3A, %dma_start3A_18] : memref<125x80xi32, #tpu.memory_space<vmem>> -> memref<1x80xi32, #tpu.memory_space<vmem>>
      %dma_start3A_20 = tpu.memref_squeeze %dma_start3A_19 : memref<1x80xi32, #tpu.memory_space<vmem>> -> memref<80xi32, #tpu.memory_space<vmem>>
      %dma_start3A_21 = arith.constant 0 : i32
      %dma_start3A_22 = arith.constant 0 : i32
      %dma_start3A_23 = tpu.memref_slice %arg7[%dma_start3A_21, %dma_start3A_22] : memref<10000x128xf32, #tpu.memory_space<vmem_shared>> -> memref<10000x128xf32, #tpu.memory_space<vmem_shared>>
      tpu.enqueue_indirect_dma source(%arg10 : memref<80x128xf32, #tpu.memory_space<vmem>>) target(%dma_start3A_23 : memref<10000x128xf32, #tpu.memory_space<vmem_shared>>) offsets(%dma_start3A_20 : memref<80xi32, #tpu.memory_space<vmem>>) semaphore(%run_scoped3A_17 : memref<!tpu.dma_semaphore, #tpu.memory_space<semaphore_mem>>) {add = true}
      %dma_wait3A_24 = arith.constant 0 : i32
      %dma_wait3A_25 = tpu.memref_slice %arg9[%run_scoped3A, %dma_wait3A_24] : memref<125x80xi32, #tpu.memory_space<vmem>> -> memref<1x80xi32, #tpu.memory_space<vmem>>
      %dma_wait3A_26 = tpu.memref_squeeze %dma_wait3A_25 : memref<1x80xi32, #tpu.memory_space<vmem>> -> memref<80xi32, #tpu.memory_space<vmem>>
      %dma_wait3A_27 = arith.constant 0 : i32
      %dma_wait3A_28 = arith.constant 0 : i32
      %dma_wait3A_29 = tpu.memref_slice %arg7[%dma_wait3A_27, %dma_wait3A_28] : memref<10000x128xf32, #tpu.memory_space<vmem_shared>> -> memref<10000x128xf32, #tpu.memory_space<vmem_shared>>
      tpu.wait_indirect_dma semaphore(%run_scoped3A_17 : memref<!tpu.dma_semaphore, #tpu.memory_space<semaphore_mem>>) src(%arg10 : memref<80x128xf32, #tpu.memory_space<vmem>>) dst(%dma_wait3A_29 : memref<10000x128xf32, #tpu.memory_space<vmem_shared>>)
      tpu.yield
    }) : () -> ()
    %barrier3A_14 = arith.constant 0 : index
    tpu.barrier barrier_id(%barrier3A_14)
    %mul3A_15 = arith.constant 625 : i32
    %mul3A_16 = arith.muli %arg1, %mul3A_15 : i32
    "tpu.region"() ({
      %run_scoped3A_17 = tpu.sem_alloc : memref<!tpu.dma_semaphore, #tpu.memory_space<semaphore_mem>>
      %dma_start3A_18 = arith.constant 0 : i32
      %dma_start3A_19 = arith.constant 0 : i32
      %dma_start3A_20 = tpu.memref_slice %arg6[%arg0, %arg1, %dma_start3A_18, %dma_start3A_19] : memref<2x16x625x128xf32, #tpu.memory_space<hbm>> -> memref<1x1x625x128xf32, #tpu.memory_space<hbm>>
      %dma_start3A_21 = tpu.memref_squeeze %dma_start3A_20 : memref<1x1x625x128xf32, #tpu.memory_space<hbm>> -> memref<625x128xf32, #tpu.memory_space<hbm>>
      %dma_start3A_22 = arith.constant 0 : i32
      %dma_start3A_23 = tpu.memref_slice %arg7[%mul3A_16, %dma_start3A_22] : memref<10000x128xf32, #tpu.memory_space<vmem_shared>> -> memref<625x128xf32, #tpu.memory_space<vmem_shared>>
      tpu.enqueue_dma source(%dma_start3A_23 : memref<625x128xf32, #tpu.memory_space<vmem_shared>>) target(%dma_start3A_21 : memref<625x128xf32, #tpu.memory_space<hbm>>) target_semaphore(%run_scoped3A_17 : memref<!tpu.dma_semaphore, #tpu.memory_space<semaphore_mem>>)
      %dma_wait3A_24 = arith.constant 0 : i32
      %dma_wait3A_25 = arith.constant 0 : i32
      %dma_wait3A_26 = tpu.memref_slice %arg6[%arg0, %arg1, %dma_wait3A_24, %dma_wait3A_25] : memref<2x16x625x128xf32, #tpu.memory_space<hbm>> -> memref<1x1x625x128xf32, #tpu.memory_space<hbm>>
      %dma_wait3A_27 = tpu.memref_squeeze %dma_wait3A_26 : memref<1x1x625x128xf32, #tpu.memory_space<hbm>> -> memref<625x128xf32, #tpu.memory_space<hbm>>
      %dma_wait3A_28 = arith.constant 0 : i32
      %dma_wait3A_29 = tpu.memref_slice %arg7[%mul3A_16, %dma_wait3A_28] : memref<10000x128xf32, #tpu.memory_space<vmem_shared>> -> memref<625x128xf32, #tpu.memory_space<vmem_shared>>
      tpu.wait_dma2 semaphore(%run_scoped3A_17 : memref<!tpu.dma_semaphore, #tpu.memory_space<semaphore_mem>>) src(%dma_wait3A_29 : memref<625x128xf32, #tpu.memory_space<vmem_shared>>) dst(%dma_wait3A_27 : memref<625x128xf32, #tpu.memory_space<hbm>>)
      tpu.yield
    }) : () -> ()
    return
  }
}

module attributes {stable_mosaic.version = 14 : i64} {
  func.func @_tc_layer_body(%arg0: i32, %arg1: memref<1000x128xf32, #tpu.memory_space<vmem>>, %arg2: memref<1000x128xf32, #tpu.memory_space<vmem>>, %arg3: memref<1000x128xf32, #tpu.memory_space<vmem>>, %arg4: memref<128x128xf32, #tpu.memory_space<vmem>>, %arg5: memref<1x128xf32, #tpu.memory_space<vmem>>, %arg6: memref<1x128xf32, #tpu.memory_space<vmem>>, %arg7: memref<1x128xf32, #tpu.memory_space<vmem>>, %arg8: memref<128x128xf32, #tpu.memory_space<vmem>>, %arg9: memref<1x128xf32, #tpu.memory_space<vmem>>, %arg10: memref<1000x128xf32, #tpu.memory_space<vmem>>) attributes {dimension_semantics = [#tpu.dimension_semantics<arbitrary>], iteration_bounds = array<i64: 10>, scalar_prefetch = 0 : i64, scratch_operands = 0 : i64, tpu.core_type = #tpu.core_type<tc>, window_params = [{transform_indices = @transform_0, window_bounds = array<i64: 1000, 128>}, {transform_indices = @transform_1, window_bounds = array<i64: 1000, 128>}, {transform_indices = @transform_2, window_bounds = array<i64: 1000, 128>}, {pipeline_mode = #tpu.pipeline_mode<synchronous>, transform_indices = @transform_3, window_bounds = array<i64: 128, 128>}, {pipeline_mode = #tpu.pipeline_mode<synchronous>, transform_indices = @transform_4, window_bounds = array<i64: 1, 128>}, {pipeline_mode = #tpu.pipeline_mode<synchronous>, transform_indices = @transform_5, window_bounds = array<i64: 1, 128>}, {pipeline_mode = #tpu.pipeline_mode<synchronous>, transform_indices = @transform_6, window_bounds = array<i64: 1, 128>}, {pipeline_mode = #tpu.pipeline_mode<synchronous>, transform_indices = @transform_7, window_bounds = array<i64: 128, 128>}, {pipeline_mode = #tpu.pipeline_mode<synchronous>, transform_indices = @transform_8, window_bounds = array<i64: 1, 128>}, {transform_indices = @transform_9, window_bounds = array<i64: 1000, 128>}]} {
    %get3A = arith.constant 0 : index
    %get3A_0 = arith.constant 0 : index
    %get3A_1 = vector.load %arg1[%get3A, %get3A_0] : memref<1000x128xf32, #tpu.memory_space<vmem>>, vector<1000x128xf32>
    %get3A_2 = arith.constant 0 : index
    %get3A_3 = arith.constant 0 : index
    %get3A_4 = vector.load %arg2[%get3A_2, %get3A_3] : memref<1000x128xf32, #tpu.memory_space<vmem>>, vector<1000x128xf32>
    %add3A = arith.addf %get3A_1, %get3A_4 : vector<1000x128xf32>
    %get3A_5 = arith.constant 0 : index
    %get3A_6 = arith.constant 0 : index
    %get3A_7 = vector.load %arg3[%get3A_5, %get3A_6] : memref<1000x128xf32, #tpu.memory_space<vmem>>, vector<1000x128xf32>
    %add3A_8 = arith.addf %add3A, %get3A_7 : vector<1000x128xf32>
    %get3A_9 = arith.constant 0 : index
    %get3A_10 = arith.constant 0 : index
    %get3A_11 = vector.load %arg4[%get3A_9, %get3A_10] : memref<128x128xf32, #tpu.memory_space<vmem>>, vector<128x128xf32>
    %dot_general3A = arith.constant dense<0.000000e+00> : vector<1000x128xf32>
    %dot_general3A_12 = tpu.matmul %add3A_8, %get3A_11, %dot_general3A {dimension_numbers = #tpu.dot_dimension_numbers<[1], [0], [0], [1], [0, 0, 1, 1], [], []>, transpose_lhs_hint = false} : vector<1000x128xf32>, vector<128x128xf32>, vector<1000x128xf32> -> vector<1000x128xf32>
    %get3A_13 = arith.constant 0 : index
    %get3A_14 = arith.constant 0 : index
    %get3A_15 = vector.load %arg5[%get3A_13, %get3A_14] : memref<1x128xf32, #tpu.memory_space<vmem>>, vector<1x128xf32>
    %add3A_16 = vector.broadcast %get3A_15 : vector<1x128xf32> to vector<1000x128xf32>
    %add3A_17 = arith.addf %dot_general3A_12, %add3A_16 : vector<1000x128xf32>
    %get3A_18 = arith.constant 0 : index
    %get3A_19 = arith.constant 0 : index
    %get3A_20 = vector.load %arg6[%get3A_18, %get3A_19] : memref<1x128xf32, #tpu.memory_space<vmem>>, vector<1x128xf32>
    %mul3A = arith.constant 0.999994993 : f32
    %mul3A_21 = vector.broadcast %mul3A : f32 to vector<1x128xf32>
    %mul3A_22 = arith.mulf %get3A_20, %mul3A_21 : vector<1x128xf32>
    %mul3A_23 = vector.broadcast %mul3A_22 : vector<1x128xf32> to vector<1000x128xf32>
    %mul3A_24 = arith.mulf %add3A_17, %mul3A_23 : vector<1000x128xf32>
    %get3A_25 = arith.constant 0 : index
    %get3A_26 = arith.constant 0 : index
    %get3A_27 = vector.load %arg7[%get3A_25, %get3A_26] : memref<1x128xf32, #tpu.memory_space<vmem>>, vector<1x128xf32>
    %add3A_28 = vector.broadcast %get3A_27 : vector<1x128xf32> to vector<1000x128xf32>
    %add3A_29 = arith.addf %mul3A_24, %add3A_28 : vector<1000x128xf32>
    %max3A = arith.constant 0.000000e+00 : f32
    %max3A_30 = vector.broadcast %max3A : f32 to vector<1000x128xf32>
    %max3A_31 = arith.maximumf %add3A_29, %max3A_30 : vector<1000x128xf32>
    %get3A_32 = arith.constant 0 : index
    %get3A_33 = arith.constant 0 : index
    %get3A_34 = vector.load %arg8[%get3A_32, %get3A_33] : memref<128x128xf32, #tpu.memory_space<vmem>>, vector<128x128xf32>
    %dot_general3A_35 = arith.constant dense<0.000000e+00> : vector<1000x128xf32>
    %dot_general3A_36 = tpu.matmul %max3A_31, %get3A_34, %dot_general3A_35 {dimension_numbers = #tpu.dot_dimension_numbers<[1], [0], [0], [1], [0, 0, 1, 1], [], []>, transpose_lhs_hint = false} : vector<1000x128xf32>, vector<128x128xf32>, vector<1000x128xf32> -> vector<1000x128xf32>
    %get3A_37 = arith.constant 0 : index
    %get3A_38 = arith.constant 0 : index
    %get3A_39 = vector.load %arg9[%get3A_37, %get3A_38] : memref<1x128xf32, #tpu.memory_space<vmem>>, vector<1x128xf32>
    %add3A_40 = vector.broadcast %get3A_39 : vector<1x128xf32> to vector<1000x128xf32>
    %add3A_41 = arith.addf %dot_general3A_36, %add3A_40 : vector<1000x128xf32>
    %max3A_42 = arith.constant 0.000000e+00 : f32
    %max3A_43 = vector.broadcast %max3A_42 : f32 to vector<1000x128xf32>
    %max3A_44 = arith.maximumf %add3A_41, %max3A_43 : vector<1000x128xf32>
    %swap3A = arith.constant 0 : index
    %swap3A_45 = arith.constant 0 : index
    %swap3A_46 = vector.load %arg10[%swap3A, %swap3A_45] : memref<1000x128xf32, #tpu.memory_space<vmem>>, vector<1000x128xf32>
    tpu.vector_store %arg10[%swap3A, %swap3A_45], %max3A_44 {strides = array<i32>} : memref<1000x128xf32, #tpu.memory_space<vmem>>, vector<1000x128xf32>,
    return
  }
  func.func @transform_0(%arg0: i32) -> (i32, i32) {
    %c0_i32 = arith.constant 0 : i32
    %c0_i32_0 = arith.constant 0 : i32
    return %arg0, %c0_i32 : i32, i32
  }
  func.func @transform_1(%arg0: i32) -> (i32, i32) {
    %c0_i32 = arith.constant 0 : i32
    %c0_i32_0 = arith.constant 0 : i32
    return %arg0, %c0_i32 : i32, i32
  }
  func.func @transform_2(%arg0: i32) -> (i32, i32) {
    %c0_i32 = arith.constant 0 : i32
    %c0_i32_0 = arith.constant 0 : i32
    return %arg0, %c0_i32 : i32, i32
  }
  func.func @transform_3(%arg0: i32) -> (i32, i32) {
    %c0_i32 = arith.constant 0 : i32
    %c0_i32_0 = arith.constant 0 : i32
    %c0_i32_1 = arith.constant 0 : i32
    return %c0_i32, %c0_i32_0 : i32, i32
  }
  func.func @transform_4(%arg0: i32) -> (i32, i32) {
    %c0_i32 = arith.constant 0 : i32
    %c0_i32_0 = arith.constant 0 : i32
    %c0_i32_1 = arith.constant 0 : i32
    return %c0_i32, %c0_i32_0 : i32, i32
  }
  func.func @transform_5(%arg0: i32) -> (i32, i32) {
    %c0_i32 = arith.constant 0 : i32
    %c0_i32_0 = arith.constant 0 : i32
    %c0_i32_1 = arith.constant 0 : i32
    return %c0_i32, %c0_i32_0 : i32, i32
  }
  func.func @transform_6(%arg0: i32) -> (i32, i32) {
    %c0_i32 = arith.constant 0 : i32
    %c0_i32_0 = arith.constant 0 : i32
    %c0_i32_1 = arith.constant 0 : i32
    return %c0_i32, %c0_i32_0 : i32, i32
  }
  func.func @transform_7(%arg0: i32) -> (i32, i32) {
    %c0_i32 = arith.constant 0 : i32
    %c0_i32_0 = arith.constant 0 : i32
    %c0_i32_1 = arith.constant 0 : i32
    return %c0_i32, %c0_i32_0 : i32, i32
  }
  func.func @transform_8(%arg0: i32) -> (i32, i32) {
    %c0_i32 = arith.constant 0 : i32
    %c0_i32_0 = arith.constant 0 : i32
    %c0_i32_1 = arith.constant 0 : i32
    return %c0_i32, %c0_i32_0 : i32, i32
  }
  func.func @transform_9(%arg0: i32) -> (i32, i32) {
    %c0_i32 = arith.constant 0 : i32
    %c0_i32_0 = arith.constant 0 : i32
    return %arg0, %c0_i32 : i32, i32
  }
}

module attributes {stable_mosaic.version = 14 : i64} {
  func.func @_tc_layer3_pool_head_body(%arg0: i32, %arg1: memref<1000x128xf32, #tpu.memory_space<vmem>>, %arg2: memref<1000x128xf32, #tpu.memory_space<vmem>>, %arg3: memref<1000x128xf32, #tpu.memory_space<vmem>>, %arg4: memref<128x128xf32, #tpu.memory_space<vmem>>, %arg5: memref<1x128xf32, #tpu.memory_space<vmem>>, %arg6: memref<1x128xf32, #tpu.memory_space<vmem>>, %arg7: memref<1x128xf32, #tpu.memory_space<vmem>>, %arg8: memref<128x128xf32, #tpu.memory_space<vmem>>, %arg9: memref<1x128xf32, #tpu.memory_space<vmem>>, %arg10: memref<1x1x1000xi32, #tpu.memory_space<vmem>>, %arg11: memref<128x128xf32, #tpu.memory_space<vmem>>, %arg12: memref<1x128xf32, #tpu.memory_space<vmem>>, %arg13: memref<128x10xf32, #tpu.memory_space<vmem>>, %arg14: memref<1x10xf32, #tpu.memory_space<vmem>>, %arg15: memref<64x10xf32, #tpu.memory_space<vmem>>, %arg16: memref<64x128xf32, #tpu.memory_space<vmem>>, %arg17: memref<64x1xf32, #tpu.memory_space<vmem>>) attributes {dimension_semantics = [#tpu.dimension_semantics<arbitrary>], iteration_bounds = array<i64: 10>, scalar_prefetch = 0 : i64, scratch_operands = 2 : i64, tpu.core_type = #tpu.core_type<tc>, window_params = [{transform_indices = @transform_0, window_bounds = array<i64: 1000, 128>}, {transform_indices = @transform_1, window_bounds = array<i64: 1000, 128>}, {transform_indices = @transform_2, window_bounds = array<i64: 1000, 128>}, {pipeline_mode = #tpu.pipeline_mode<synchronous>, transform_indices = @transform_3, window_bounds = array<i64: 128, 128>}, {pipeline_mode = #tpu.pipeline_mode<synchronous>, transform_indices = @transform_4, window_bounds = array<i64: 1, 128>}, {pipeline_mode = #tpu.pipeline_mode<synchronous>, transform_indices = @transform_5, window_bounds = array<i64: 1, 128>}, {pipeline_mode = #tpu.pipeline_mode<synchronous>, transform_indices = @transform_6, window_bounds = array<i64: 1, 128>}, {pipeline_mode = #tpu.pipeline_mode<synchronous>, transform_indices = @transform_7, window_bounds = array<i64: 128, 128>}, {pipeline_mode = #tpu.pipeline_mode<synchronous>, transform_indices = @transform_8, window_bounds = array<i64: 1, 128>}, {transform_indices = @transform_9, window_bounds = array<i64: 1, 1, 1000>}, {pipeline_mode = #tpu.pipeline_mode<synchronous>, transform_indices = @transform_10, window_bounds = array<i64: 128, 128>}, {pipeline_mode = #tpu.pipeline_mode<synchronous>, transform_indices = @transform_11, window_bounds = array<i64: 1, 128>}, {pipeline_mode = #tpu.pipeline_mode<synchronous>, transform_indices = @transform_12, window_bounds = array<i64: 128, 10>}, {pipeline_mode = #tpu.pipeline_mode<synchronous>, transform_indices = @transform_13, window_bounds = array<i64: 1, 10>}, {pipeline_mode = #tpu.pipeline_mode<synchronous>, transform_indices = @transform_14, window_bounds = array<i64: 64, 10>}]} {
    %eq3A = arith.constant 0 : i32
    %eq3A_0 = arith.cmpi eq, %arg0, %eq3A : i32
    %convert_element_type3A = arith.extui %eq3A_0 : i1 to i32
    %cond3A = arith.constant 0 : i32
    %cond3A_1 = arith.cmpi ne, %convert_element_type3A, %cond3A : i32
    scf.if %cond3A_1 {
      %broadcast_in_dim3A_77 = arith.constant 0.000000e+00 : f32
      %broadcast_in_dim3A_78 = vector.broadcast %broadcast_in_dim3A_77 : f32 to vector<64x128xf32>
      %swap3A_79 = arith.constant 0 : index
      %swap3A_80 = arith.constant 0 : index
      %swap3A_81 = vector.load %arg16[%swap3A_79, %swap3A_80] : memref<64x128xf32, #tpu.memory_space<vmem>>, vector<64x128xf32>
      tpu.vector_store %arg16[%swap3A_79, %swap3A_80], %broadcast_in_dim3A_78 {strides = array<i32>} : memref<64x128xf32, #tpu.memory_space<vmem>>, vector<64x128xf32>,
      %broadcast_in_dim3A_82 = arith.constant 0.000000e+00 : f32
      %broadcast_in_dim3A_83 = vector.broadcast %broadcast_in_dim3A_82 : f32 to vector<64x1xf32>
      %swap3A_84 = arith.constant 0 : index
      %swap3A_85 = arith.constant 0 : index
      %swap3A_86 = vector.load %arg17[%swap3A_84, %swap3A_85] : memref<64x1xf32, #tpu.memory_space<vmem>>, vector<64x1xf32>
      tpu.vector_store %arg17[%swap3A_84, %swap3A_85], %broadcast_in_dim3A_83 {strides = array<i32>} : memref<64x1xf32, #tpu.memory_space<vmem>>, vector<64x1xf32>,
    } else {
    }
    %get3A = arith.constant 0 : index
    %get3A_2 = arith.constant 0 : index
    %get3A_3 = vector.load %arg1[%get3A, %get3A_2] : memref<1000x128xf32, #tpu.memory_space<vmem>>, vector<1000x128xf32>
    %get3A_4 = arith.constant 0 : index
    %get3A_5 = arith.constant 0 : index
    %get3A_6 = vector.load %arg2[%get3A_4, %get3A_5] : memref<1000x128xf32, #tpu.memory_space<vmem>>, vector<1000x128xf32>
    %add3A = arith.addf %get3A_3, %get3A_6 : vector<1000x128xf32>
    %get3A_7 = arith.constant 0 : index
    %get3A_8 = arith.constant 0 : index
    %get3A_9 = vector.load %arg3[%get3A_7, %get3A_8] : memref<1000x128xf32, #tpu.memory_space<vmem>>, vector<1000x128xf32>
    %add3A_10 = arith.addf %add3A, %get3A_9 : vector<1000x128xf32>
    %get3A_11 = arith.constant 0 : index
    %get3A_12 = arith.constant 0 : index
    %get3A_13 = vector.load %arg4[%get3A_11, %get3A_12] : memref<128x128xf32, #tpu.memory_space<vmem>>, vector<128x128xf32>
    %dot_general3A = arith.constant dense<0.000000e+00> : vector<1000x128xf32>
    %dot_general3A_14 = tpu.matmul %add3A_10, %get3A_13, %dot_general3A {dimension_numbers = #tpu.dot_dimension_numbers<[1], [0], [0], [1], [0, 0, 1, 1], [], []>, transpose_lhs_hint = false} : vector<1000x128xf32>, vector<128x128xf32>, vector<1000x128xf32> -> vector<1000x128xf32>
    %get3A_15 = arith.constant 0 : index
    %get3A_16 = arith.constant 0 : index
    %get3A_17 = vector.load %arg5[%get3A_15, %get3A_16] : memref<1x128xf32, #tpu.memory_space<vmem>>, vector<1x128xf32>
    %add3A_18 = vector.broadcast %get3A_17 : vector<1x128xf32> to vector<1000x128xf32>
    %add3A_19 = arith.addf %dot_general3A_14, %add3A_18 : vector<1000x128xf32>
    %get3A_20 = arith.constant 0 : index
    %get3A_21 = arith.constant 0 : index
    %get3A_22 = vector.load %arg6[%get3A_20, %get3A_21] : memref<1x128xf32, #tpu.memory_space<vmem>>, vector<1x128xf32>
    %mul3A = arith.constant 0.999994993 : f32
    %mul3A_23 = vector.broadcast %mul3A : f32 to vector<1x128xf32>
    %mul3A_24 = arith.mulf %get3A_22, %mul3A_23 : vector<1x128xf32>
    %mul3A_25 = vector.broadcast %mul3A_24 : vector<1x128xf32> to vector<1000x128xf32>
    %mul3A_26 = arith.mulf %add3A_19, %mul3A_25 : vector<1000x128xf32>
    %get3A_27 = arith.constant 0 : index
    %get3A_28 = arith.constant 0 : index
    %get3A_29 = vector.load %arg7[%get3A_27, %get3A_28] : memref<1x128xf32, #tpu.memory_space<vmem>>, vector<1x128xf32>
    %add3A_30 = vector.broadcast %get3A_29 : vector<1x128xf32> to vector<1000x128xf32>
    %add3A_31 = arith.addf %mul3A_26, %add3A_30 : vector<1000x128xf32>
    %max3A = arith.constant 0.000000e+00 : f32
    %max3A_32 = vector.broadcast %max3A : f32 to vector<1000x128xf32>
    %max3A_33 = arith.maximumf %add3A_31, %max3A_32 : vector<1000x128xf32>
    %get3A_34 = arith.constant 0 : index
    %get3A_35 = arith.constant 0 : index
    %get3A_36 = vector.load %arg8[%get3A_34, %get3A_35] : memref<128x128xf32, #tpu.memory_space<vmem>>, vector<128x128xf32>
    %dot_general3A_37 = arith.constant dense<0.000000e+00> : vector<1000x128xf32>
    %dot_general3A_38 = tpu.matmul %max3A_33, %get3A_36, %dot_general3A_37 {dimension_numbers = #tpu.dot_dimension_numbers<[1], [0], [0], [1], [0, 0, 1, 1], [], []>, transpose_lhs_hint = false} : vector<1000x128xf32>, vector<128x128xf32>, vector<1000x128xf32> -> vector<1000x128xf32>
    %get3A_39 = arith.constant 0 : index
    %get3A_40 = arith.constant 0 : index
    %get3A_41 = vector.load %arg9[%get3A_39, %get3A_40] : memref<1x128xf32, #tpu.memory_space<vmem>>, vector<1x128xf32>
    %add3A_42 = vector.broadcast %get3A_41 : vector<1x128xf32> to vector<1000x128xf32>
    %add3A_43 = arith.addf %dot_general3A_38, %add3A_42 : vector<1000x128xf32>
    %max3A_44 = arith.constant 0.000000e+00 : f32
    %max3A_45 = vector.broadcast %max3A_44 : f32 to vector<1000x128xf32>
    %max3A_46 = arith.maximumf %add3A_43, %max3A_45 : vector<1000x128xf32>
    %iota3A = tpu.iota {dimensions = array<i32: 0>} : vector<64x1000xi32>
    %get3A_47 = arith.constant 0 : index
    %get3A_48 = arith.constant 0 : index
    %get3A_49 = arith.constant 0 : index
    %get3A_50 = vector.load %arg10[%get3A_47, %get3A_48, %get3A_49] : memref<1x1x1000xi32, #tpu.memory_space<vmem>>, vector<1x1x1000xi32>
    %get3A_51 = vector.shape_cast %get3A_50 : vector<1x1x1000xi32> to vector<1x1000xi32>
    %eq3A_52 = vector.broadcast %get3A_51 : vector<1x1000xi32> to vector<64x1000xi32>
    %eq3A_53 = arith.cmpi eq, %eq3A_52, %iota3A : vector<64x1000xi32>
    %convert_element_type3A_54 = arith.extui %eq3A_53 : vector<64x1000xi1> to vector<64x1000xi32>
    %convert_element_type3A_55 = arith.sitofp %convert_element_type3A_54 : vector<64x1000xi32> to vector<64x1000xf32>
    %get3A_56 = arith.constant 0 : index
    %get3A_57 = arith.constant 0 : index
    %get3A_58 = vector.load %arg16[%get3A_56, %get3A_57] : memref<64x128xf32, #tpu.memory_space<vmem>>, vector<64x128xf32>
    %dot_general3A_59 = arith.constant dense<0.000000e+00> : vector<64x128xf32>
    %dot_general3A_60 = tpu.matmul %convert_element_type3A_55, %max3A_46, %dot_general3A_59 {dimension_numbers = #tpu.dot_dimension_numbers<[1], [0], [0], [1], [0, 0, 1, 1], [], []>, transpose_lhs_hint = false} : vector<64x1000xf32>, vector<1000x128xf32>, vector<64x128xf32> -> vector<64x128xf32>
    %add3A_61 = arith.addf %get3A_58, %dot_general3A_60 : vector<64x128xf32>
    %swap3A = arith.constant 0 : index
    %swap3A_62 = arith.constant 0 : index
    %swap3A_63 = vector.load %arg16[%swap3A, %swap3A_62] : memref<64x128xf32, #tpu.memory_space<vmem>>, vector<64x128xf32>
    tpu.vector_store %arg16[%swap3A, %swap3A_62], %add3A_61 {strides = array<i32>} : memref<64x128xf32, #tpu.memory_space<vmem>>, vector<64x128xf32>,
    %get3A_64 = arith.constant 0 : index
    %get3A_65 = arith.constant 0 : index
    %get3A_66 = vector.load %arg17[%get3A_64, %get3A_65] : memref<64x1xf32, #tpu.memory_space<vmem>>, vector<64x1xf32>
    %reduce_sum3A = arith.constant dense<0.000000e+00> : vector<64xf32>
    %reduce_sum3A_67 = vector.multi_reduction <add>, %convert_element_type3A_55, %reduce_sum3A [1] : vector<64x1000xf32> to vector<64xf32>
    %broadcast_in_dim3A = vector.shape_cast %reduce_sum3A_67 : vector<64xf32> to vector<64x1xf32>
    %add3A_68 = arith.addf %get3A_66, %broadcast_in_dim3A : vector<64x1xf32>
    %swap3A_69 = arith.constant 0 : index
    %swap3A_70 = arith.constant 0 : index
    %swap3A_71 = vector.load %arg17[%swap3A_69, %swap3A_70] : memref<64x1xf32, #tpu.memory_space<vmem>>, vector<64x1xf32>
    tpu.vector_store %arg17[%swap3A_69, %swap3A_70], %add3A_68 {strides = array<i32>} : memref<64x1xf32, #tpu.memory_space<vmem>>, vector<64x1xf32>,
    %eq3A_72 = arith.constant 9 : i32
    %eq3A_73 = arith.cmpi eq, %arg0, %eq3A_72 : i32
    %convert_element_type3A_74 = arith.extui %eq3A_73 : i1 to i32
    %cond3A_75 = arith.constant 0 : i32
    %cond3A_76 = arith.cmpi ne, %convert_element_type3A_74, %cond3A_75 : i32
    scf.if %cond3A_76 {
      %get3A_77 = arith.constant 0 : index
      %get3A_78 = arith.constant 0 : index
      %get3A_79 = vector.load %arg16[%get3A_77, %get3A_78] : memref<64x128xf32, #tpu.memory_space<vmem>>, vector<64x128xf32>
      %get3A_80 = arith.constant 0 : index
      %get3A_81 = arith.constant 0 : index
      %get3A_82 = vector.load %arg17[%get3A_80, %get3A_81] : memref<64x1xf32, #tpu.memory_space<vmem>>, vector<64x1xf32>
      %max3A_83 = arith.constant 1.000000e+00 : f32
      %max3A_84 = vector.broadcast %max3A_83 : f32 to vector<64x1xf32>
      %max3A_85 = arith.maximumf %get3A_82, %max3A_84 : vector<64x1xf32>
      %div3A = vector.broadcast %max3A_85 : vector<64x1xf32> to vector<64x128xf32>
      %div3A_86 = arith.divf %get3A_79, %div3A : vector<64x128xf32>
      %get3A_87 = arith.constant 0 : index
      %get3A_88 = arith.constant 0 : index
      %get3A_89 = vector.load %arg11[%get3A_87, %get3A_88] : memref<128x128xf32, #tpu.memory_space<vmem>>, vector<128x128xf32>
      %dot_general3A_90 = arith.constant dense<0.000000e+00> : vector<64x128xf32>
      %dot_general3A_91 = tpu.matmul %div3A_86, %get3A_89, %dot_general3A_90 {dimension_numbers = #tpu.dot_dimension_numbers<[1], [0], [0], [1], [0, 0, 1, 1], [], []>, transpose_lhs_hint = false} : vector<64x128xf32>, vector<128x128xf32>, vector<64x128xf32> -> vector<64x128xf32>
      %get3A_92 = arith.constant 0 : index
      %get3A_93 = arith.constant 0 : index
      %get3A_94 = vector.load %arg12[%get3A_92, %get3A_93] : memref<1x128xf32, #tpu.memory_space<vmem>>, vector<1x128xf32>
      %add3A_95 = vector.broadcast %get3A_94 : vector<1x128xf32> to vector<64x128xf32>
      %add3A_96 = arith.addf %dot_general3A_91, %add3A_95 : vector<64x128xf32>
      %max3A_97 = arith.constant 0.000000e+00 : f32
      %max3A_98 = vector.broadcast %max3A_97 : f32 to vector<64x128xf32>
      %max3A_99 = arith.maximumf %add3A_96, %max3A_98 : vector<64x128xf32>
      %get3A_100 = arith.constant 0 : index
      %get3A_101 = arith.constant 0 : index
      %get3A_102 = vector.load %arg13[%get3A_100, %get3A_101] : memref<128x10xf32, #tpu.memory_space<vmem>>, vector<128x10xf32>
      %dot_general3A_103 = arith.constant dense<0.000000e+00> : vector<64x10xf32>
      %dot_general3A_104 = tpu.matmul %max3A_99, %get3A_102, %dot_general3A_103 {dimension_numbers = #tpu.dot_dimension_numbers<[1], [0], [0], [1], [0, 0, 1, 1], [], []>, transpose_lhs_hint = false} : vector<64x128xf32>, vector<128x10xf32>, vector<64x10xf32> -> vector<64x10xf32>
      %get3A_105 = arith.constant 0 : index
      %get3A_106 = arith.constant 0 : index
      %get3A_107 = vector.load %arg14[%get3A_105, %get3A_106] : memref<1x10xf32, #tpu.memory_space<vmem>>, vector<1x10xf32>
      %add3A_108 = vector.broadcast %get3A_107 : vector<1x10xf32> to vector<64x10xf32>
      %add3A_109 = arith.addf %dot_general3A_104, %add3A_108 : vector<64x10xf32>
      %swap3A_110 = arith.constant 0 : index
      %swap3A_111 = arith.constant 0 : index
      %swap3A_112 = vector.load %arg15[%swap3A_110, %swap3A_111] : memref<64x10xf32, #tpu.memory_space<vmem>>, vector<64x10xf32>
      tpu.vector_store %arg15[%swap3A_110, %swap3A_111], %add3A_109 {strides = array<i32>} : memref<64x10xf32, #tpu.memory_space<vmem>>, vector<64x10xf32>,
    } else {
    }
    return
  }
  func.func @transform_0(%arg0: i32) -> (i32, i32) {
    %c0_i32 = arith.constant 0 : i32
    %c0_i32_0 = arith.constant 0 : i32
    return %arg0, %c0_i32 : i32, i32
  }
  func.func @transform_1(%arg0: i32) -> (i32, i32) {
    %c0_i32 = arith.constant 0 : i32
    %c0_i32_0 = arith.constant 0 : i32
    return %arg0, %c0_i32 : i32, i32
  }
  func.func @transform_2(%arg0: i32) -> (i32, i32) {
    %c0_i32 = arith.constant 0 : i32
    %c0_i32_0 = arith.constant 0 : i32
    return %arg0, %c0_i32 : i32, i32
  }
  func.func @transform_3(%arg0: i32) -> (i32, i32) {
    %c0_i32 = arith.constant 0 : i32
    %c0_i32_0 = arith.constant 0 : i32
    %c0_i32_1 = arith.constant 0 : i32
    return %c0_i32, %c0_i32_0 : i32, i32
  }
  func.func @transform_4(%arg0: i32) -> (i32, i32) {
    %c0_i32 = arith.constant 0 : i32
    %c0_i32_0 = arith.constant 0 : i32
    %c0_i32_1 = arith.constant 0 : i32
    return %c0_i32, %c0_i32_0 : i32, i32
  }
  func.func @transform_5(%arg0: i32) -> (i32, i32) {
    %c0_i32 = arith.constant 0 : i32
    %c0_i32_0 = arith.constant 0 : i32
    %c0_i32_1 = arith.constant 0 : i32
    return %c0_i32, %c0_i32_0 : i32, i32
  }
  func.func @transform_6(%arg0: i32) -> (i32, i32) {
    %c0_i32 = arith.constant 0 : i32
    %c0_i32_0 = arith.constant 0 : i32
    %c0_i32_1 = arith.constant 0 : i32
    return %c0_i32, %c0_i32_0 : i32, i32
  }
  func.func @transform_7(%arg0: i32) -> (i32, i32) {
    %c0_i32 = arith.constant 0 : i32
    %c0_i32_0 = arith.constant 0 : i32
    %c0_i32_1 = arith.constant 0 : i32
    return %c0_i32, %c0_i32_0 : i32, i32
  }
  func.func @transform_8(%arg0: i32) -> (i32, i32) {
    %c0_i32 = arith.constant 0 : i32
    %c0_i32_0 = arith.constant 0 : i32
    %c0_i32_1 = arith.constant 0 : i32
    return %c0_i32, %c0_i32_0 : i32, i32
  }
  func.func @transform_9(%arg0: i32) -> (i32, i32, i32) {
    %c0_i32 = arith.constant 0 : i32
    %c0_i32_0 = arith.constant 0 : i32
    %c0_i32_1 = arith.constant 0 : i32
    return %arg0, %c0_i32, %c0_i32_0 : i32, i32, i32
  }
  func.func @transform_10(%arg0: i32) -> (i32, i32) {
    %c0_i32 = arith.constant 0 : i32
    %c0_i32_0 = arith.constant 0 : i32
    %c0_i32_1 = arith.constant 0 : i32
    return %c0_i32, %c0_i32_0 : i32, i32
  }
  func.func @transform_11(%arg0: i32) -> (i32, i32) {
    %c0_i32 = arith.constant 0 : i32
    %c0_i32_0 = arith.constant 0 : i32
    %c0_i32_1 = arith.constant 0 : i32
    return %c0_i32, %c0_i32_0 : i32, i32
  }
  func.func @transform_12(%arg0: i32) -> (i32, i32) {
    %c0_i32 = arith.constant 0 : i32
    %c0_i32_0 = arith.constant 0 : i32
    %c0_i32_1 = arith.constant 0 : i32
    return %c0_i32, %c0_i32_0 : i32, i32
  }
  func.func @transform_13(%arg0: i32) -> (i32, i32) {
    %c0_i32 = arith.constant 0 : i32
    %c0_i32_0 = arith.constant 0 : i32
    %c0_i32_1 = arith.constant 0 : i32
    return %c0_i32, %c0_i32_0 : i32, i32
  }
  func.func @transform_14(%arg0: i32) -> (i32, i32) {
    %c0_i32 = arith.constant 0 : i32
    %c0_i32_0 = arith.constant 0 : i32
    %c0_i32_1 = arith.constant 0 : i32
    return %c0_i32, %c0_i32_0 : i32, i32
  }
}

</mosaic_0001>

<sc_bundles>
// kernel: kernel.11.cloned.1.call-start
scs
__scs_entry_jumppad:
0x0: {  	(pc) =	sbr.rel $0x88, $3  }
0x1: {  	(tag) =	ssettag $0x0;
	lr =	simm.s32 $0x1  }
0x2: {  	[smem:$0x3F94] =	sst lr;
	_ =	strace $0xD0000000  }
0x3: {  	_ = 	snop  }
0x4: {  	_ = 	snop  }
0x5: {  	_ = 	snop  }
0x6: {  	_ = 	snop  }
0x7: {  	_ = 	snop  }
__scs_overlays_trampoline_lowered:
0x8: {  	[smem:$0x3FA3] =	sst s0  }
0x9: {  	[smem:$0x3FA4] =	sst s1  }
0xa: {  	[smem:$0x3FA5] =	sst s2  }
0xb: {  	[smem:$0x3FA6] =	sst s3  }
0xc: {  	[smem:$0x3FA7] =	sst s4  }
0xd: {  	[smem:$0x3FA8] =	sst s5  }
0xe: {  	[smem:$0x3FA9] =	sst s6  }
0xf: {  	[smem:$0x3FAA] =	sst s7  }
0x10: {  	[smem:$0x3FAB] =	sst s8  }
0x11: {  	[smem:$0x3FAC] =	sst s9;
	s0 =	simm.s32 @!p0 $0x0  }
0x12: {  	s1 =	sld [smem:$0x3F92];
	s0 =	simm.s32 @p0 $0x1  }
0x13: {  	[smem:$0x3FAD] =	sst s0;
	s0 =	simm.s32 @!p1 $0x0  }
0x14: {  	s2 =	sld [smem:$0x3F91];
	s0 =	simm.s32 @p1 $0x1  }
0x15: {  	[smem:$0x3FAE] =	sst s0;
	s0 =	simm.s32 @!p2 $0x0  }
0x16: {  	s3 =	sld [smem:$0x3FDB];
	s0 =	simm.s32 @p2 $0x1  }
0x17: {  	s4 =	simm.s32 $0x1BF5;
	[smem:$0x3FB0] =	sst s0  }
0x18: {  	s0 =	sld [smem:$0x3F93];
	_ =	swait.ge [sflag:s4], $0x0  }
0x19: {  	s7 =	sld [smem:$0x3F94]  }
0x1a: {  	s8 =	sadd.s32 $0xFFFFE003, lr  }
0x1b: {  	s9 =	sadd.s32 $0xFFFFFEF7, lr;
	s5 =	simm.s32 $0xFFFFFFFF;
	p2 =	slt.u32 s8, $0xFFFFF086  }
0x1c: {  	p1 =	slt.u32 s9, $0xF7A;
	s5 =	simm.s32 @!p2 $0x0  }
0x1d: {  	s5 =	simm.s32 @p1 $0x1;
	p0 =	seq.s32 s7, s2  }
0x1e: {  	s7 =	smul.u32 @!p0 $0xF7A, s2;
	p2 =	seq.s32 @!p0 s5, $0x0  }
0x1f: {  	s9 =	smul.u32 $0xF7A, s1;
	s8 =	simm.s32 @!p0 $0x1BF5;
	p2 =	por !p2, p0  }
0x20: {  	[sflag:s8] =	ssyncset.s32 @!p0 $0xFFFFF086;
	s6 =	sadd.s32 @!p0 s3, s7;
	s7 =	simm.s32 @!p0 $0x108  }
0x21: {  	s3 =	sadd.s32 s3, s9;
	s6 =	sadd.s32 @!p0 $0x88, s6;
	s7 =	simm.s32 @p2 $0x1082  }
0x22: {  	[simem:s7], [sflag:s8] =	dma.local @!p0 [hbm:s6], $0xF7A  }
0x23: {  	s9 =	sor.u32 $0xD0000000, s2;
	s6 =	simm.s32 $0x108;
	_ =	swait.ge @!p0 [sflag:s8], $0x0  }
0x24: {  	s3 =	sadd.s32 $0x88, s3;
	s6 =	simm.s32 @!p1 $0x1082;
	[sflag:s4] =	ssyncset.s32 $0xFFFFF086  }
0x25: {  	[simem:s6], [sflag:s4] =	dma.local [hbm:s3], $0xF7A  }
0x26: {  	[smem:$0x3F94] =	sst s1;
	(tag) =	ssettag s2;
	_ =	strace s9  }
0x27: {  	s1 =	sld [smem:$0x3FA4]  }
0x28: {  	s2 =	sld [smem:$0x3FA5]  }
0x29: {  	s4 =	sld [smem:$0x3FA7]  }
0x2a: {  	p0 =	seq.s32 s5, $0x0;
	s5 =	sld [smem:$0x3FA8]  }
0x2b: {  	s6 =	sld [smem:$0x3FA9]  }
0x2c: {  	s7 =	sld [smem:$0x3FAA]  }
0x2d: {  	s3 =	simm.s32 $0x108;
	s8 =	sld [smem:$0x3FAB]  }
0x2e: {  	s3 =	simm.s32 @!p0 $0x1082;
	s9 =	sld [smem:$0x3FAC]  }
0x2f: {  	lr =	sadd.s32 s0, s3;
	s0 =	sld [smem:$0x3FA3]  }
0x30: {  	s3 =	sld [smem:$0x3FA6]  }
0x31: {  	[smem:$0x3FAF] =	sst s10  }
0x32: {  	s10 =	sld [smem:$0x3FAD];
	_ =	sdelay $0x3  }
0x33: {  	p0 =	seq.s32 s10, $0x1;
	s10 =	sld [smem:$0x3FAF];
	_ =	sdelay $0x3  }
0x34: {  	[smem:$0x3FAF] =	sst s10  }
0x35: {  	s10 =	sld [smem:$0x3FAE];
	_ =	sdelay $0x3  }
0x36: {  	p1 =	seq.s32 s10, $0x1;
	s10 =	sld [smem:$0x3FAF];
	_ =	sdelay $0x3  }
0x37: {  	[smem:$0x3FAF] =	sst s10  }
0x38: {  	s10 =	sld [smem:$0x3FB0]  }
0x39: {  	_ = 	snop;
	(pc) =	sbr.ind lr, $3  }
0x3a: {  	_ = 	snop  }
0x3b: {  	_ = 	snop  }
0x3c: {  	p2 =	seq.s32 s10, $0x1;
	s10 =	sld [smem:$0x3FAF]  }
0x3d: {  	_ =	shalt  }
0x3e: {  	_ =	shalt  }
0x3f: {  	_ =	shalt  }
0x40: {  	_ =	shalt  }
0x41: {  	_ =	shalt  }
0x42: {  	_ =	shalt  }
0x43: {  	_ =	shalt  }
0x44: {  	_ =	shalt  }
0x45: {  	_ =	shalt  }
0x46: {  	_ =	shalt  }
0x47: {  	_ =	shalt  }
0x48: {  	_ =	shalt  }
0x49: {  	_ =	shalt  }
0x4a: {  	_ =	shalt  }
0x4b: {  	_ =	shalt  }
0x4c: {  	_ =	shalt  }
0x4d: {  	_ =	shalt  }
0x4e: {  	_ =	shalt  }
0x4f: {  	_ =	shalt  }
0x50: {  	_ =	shalt  }
0x51: {  	_ =	shalt  }
0x52: {  	_ =	shalt  }
0x53: {  	_ =	shalt  }
0x54: {  	_ =	shalt  }
0x55: {  	_ =	shalt  }
0x56: {  	_ =	shalt  }
0x57: {  	_ =	shalt  }
0x58: {  	_ =	shalt  }
0x59: {  	_ =	shalt  }
0x5a: {  	_ =	shalt  }
0x5b: {  	_ =	shalt  }
0x5c: {  	_ =	shalt  }
0x5d: {  	_ =	shalt  }
0x5e: {  	_ =	shalt  }
0x5f: {  	_ =	shalt  }
0x60: {  	_ =	shalt  }
0x61: {  	_ =	shalt  }
0x62: {  	_ =	shalt  }
0x63: {  	_ =	shalt  }
0x64: {  	_ =	shalt  }
0x65: {  	_ =	shalt  }
0x66: {  	_ =	shalt  }
0x67: {  	_ =	shalt  }
0x68: {  	_ =	shalt  }
0x69: {  	_ =	shalt  }
0x6a: {  	_ =	shalt  }
0x6b: {  	_ =	shalt  }
0x6c: {  	_ =	shalt  }
0x6d: {  	_ =	shalt  }
0x6e: {  	_ =	shalt  }
0x6f: {  	_ =	shalt  }
0x70: {  	_ =	shalt  }
0x71: {  	_ =	shalt  }
0x72: {  	_ =	shalt  }
0x73: {  	_ =	shalt  }
0x74: {  	_ =	shalt  }
0x75: {  	_ =	shalt  }
0x76: {  	_ =	shalt  }
0x77: {  	_ =	shalt  }
0x78: {  	_ =	shalt  }
0x79: {  	_ =	shalt  }
0x7a: {  	_ =	shalt  }
0x7b: {  	_ =	shalt  }
0x7c: {  	_ =	shalt  }
0x7d: {  	_ =	shalt  }
0x7e: {  	_ =	shalt  }
0x7f: {  	_ =	shalt  }
0x80: {  	_ =	shalt  }
0x81: {  	_ =	shalt  }
0x82: {  	_ =	shalt  }
0x83: {  	_ =	shalt  }
0x84: {  	_ =	shalt  }
0x85: {  	_ =	shalt  }
0x86: {  	_ =	shalt  }
0x87: {  	_ =	shalt  }
.Lfunc_end0:
.L_simem_size_0:
called_computation.1_lowered:
.L_overlay_start_0:
0x88: {  	s2 =	sld [smem:$0x3FD9]  }
0x89: {  	s3 =	sld [smem:$0x3FFE];
	_ =	sdelay $0x1  }
0x8a: {  	s1 =	srdreg.scid  }
0x8b: {  	s0 =	sand.u32 $0x1, s1  }
0x8c: {  	s16 =	sshll.u32 s0, $0xA;
	s2 =	sadd.s32 s3, s2  }
0x8d: {  	s2 =	sadd.s32 s2, s16  }
0x8e: {  	[smem:$0x3FBB] =	sst s2  }
0x8f: {  	_ = 	snop  }
0x90: {  	(tm) =	ssettm $0x1  }
0x91: {  	s17 =	sld [smem:$0x3FFB];
	_ =	sdelay $0x3  }
0x92: {  	_ =	strace s17  }
0x93: {  	s2 =	sld [smem:$0x3FFC];
	_ =	sdelay $0x3  }
0x94: {  	_ =	strace s2  }
0x95: {  	s2 =	sld [smem:$0x3FFD];
	_ =	sdelay $0x3  }
0x96: {  	_ =	strace s2  }
0x97: {  	_ =	strace $0x8FFFFFFF  }
0x98: {  	s18 =	sld [smem:$0x3FDB];
	_ =	sdelay $0x1  }
0x99: {  	s19 =	simm.s32 $_scs_section_size  }
0x9a: {  	s4 =	simm.s32 $_size__tile_overlayer_lowered;
	s5 =	simm.s32 $_tile_overlayer_lowered  }
0x9b: {  	s22 =	simm.s32 $0x1BFF;
	s21 =	sshll.u32 s5, $0x1;
	s2 =	sadd.s32 s19, s18  }
0x9c: {  	s6 =	simm.s32 $0x0;
	s20 =	sshll.u32 s4, $0x1;
	s4 =	sadd.s32 s21, s2  }
0x9d: {  	[timem:s6], [sflag:s22] =	dma.local [hbm:s4], s20  }
0x9e: {  	_ =	swait.ge [sflag:s22], s20  }
0x9f: {  	s3 =	ssub.s32 $0x0, s20;
	[sflag:s22] =	ssyncset.done $0x0  }
0xa0: {  	[sflag:s22] =	ssyncadd.s32 s3;
	_ =	sdelay $0x1  }
0xa1: {  	s23 =	simm.s32 $0x1B8B  }
0xa2: {  	_ =	swait.ge [sflag:s23], $0x1  }
0xa3: {  	[sflag:s23] =	ssyncset.done $0x0  }
0xa4: {  	s25 =	simm.s32 $0x1B8E;
	s24 =	sld [smem:$0x3FFE];
	[sflag:s23] =	ssyncadd.s32 $0xFFFFFFFF  }
0xa5: {  	s26 =	simm.s32 $execute0_lowered;
	[smem:$0x3FD2] =	sst s25  }
0xa6: {  	s4 =	sshll.u32 s26, $0x1;
	_ =	strace $0x80000049;
	[dreg:$0x1] =	wrdreg $0xFFFFFFFF  }
0xa7: {  	s28 =	simm.s32 $_size_execute0_lowered;
	s2 =	sadd.s32 s2, s4;
	[dreg:$0x0] =	wrdreg $0x0  }
0xa8: {  	s4 =	sshll.u32 s28, $0x1;
	[dreg:$0x2] =	wrdreg s2  }
0xa9: {  	[dreg:$0x3] =	wrdreg s4  }
0xaa: {  	[dreg:$0x4] =	wrdreg $0xC0  }
0xab: {  	_ =	task [dreg:s6], $0x5FFFF  }
0xac: {  	[dreg:$0x1] =	wrdreg $0xFFFFFFFF  }
0xad: {  	[dreg:$0x0] =	wrdreg $0x60  }
0xae: {  	[dreg:$0x2] =	wrdreg s24  }
0xaf: {  	[dreg:$0x3] =	wrdreg $0x0  }
0xb0: {  	[dreg:$0x4] =	wrdreg $0x9  }
0xb1: {  	_ =	task.clear_ibuf [dreg:s6], $0x5FFFF;
	_ =	strace $0x90000049  }
0xb2: {  	s29 =	simm.s32 $0x9;
	_ =	strace $0x8000004B  }
0xb3: {  	_ =	swait.ge [sflag:s29], $0x1  }
0xb4: {  	[sflag:s29] =	ssyncadd.s32 $0xFFFFFFFF  }
0xb5: {  	_ =	strace $0x9000004B  }
0xb6: {  	_ =	sfence  }
0xb7: {  	s30 =	sld [smem:$0x0];
	_ =	sdelay $0x2  }
0xb8: {  	s31 =	sshll.u32 s1, $0xD;
	s1 =	sshrl.u32 s1, $0x2  }
0xb9: {  	s3 =	sand.u32 $0x4000, s31;
	s1 =	sadd.s32 s1, s30  }
0xba: {  	s0 =	sor.u32 s3, s0;
	s1 =	sshll.u32 s1, $0x11  }
0xbb: {  	s0 =	sor.u32 s1, s0  }
0xbc: {  	s0 =	sadd.s32 $0x8F2B, s0  }
0xbd: {  	[sflag:s0] =	ssyncadd.remote.s32 $0x1  }
0xbe: {  	_ =	sfence.sel $0xFFFF  }
0xbf: {  	[dreg:$0x0] =	wrdreg $0xFFFFFFFF;
	(pc) =	sbr.abs _section_cstart, $3  }
0xc0: {  	[dreg:$0x1] =	wrdreg $0xFFFFFFFF  }
0xc1: {  	_ =	task.clear_ibuf [dreg:s6], $0x2FFFF;
	_ =	strace $0x9FFFFFFF  }
0xc2: {  	(tm) =	ssettm $0x7FFFFFFF  }
0xc3: {  	_ =	shalt  }
tec
execute0_lowered:
.L_overlay_start_1:
0x0: {  	(tag) =	ssettag $0x1  }
0x1: {  	s1 =	srdreg.scid  }
0x2: {  	s6 =	rddreg [dreg:$0x0];
	s0 =	stileid.u32  }
0x3: {  	s2 =	rddreg [dreg:$0x1];
	s3 =	simm.s32 $0x0;
	s15 =	simm.s32 $0x13880  }
0x4: {  	s16 =	simm.s32 $0x16000;
	s17 =	simm.s32 $0x50;
	s18 =	simm.s32 $0x1A000  }
0x5: {  	s19 =	simm.s32 $0x1C800;
	s20 =	simm.s32 $0x1;
	s21 =	simm.s32 $0x2  }
0x6: {  	s22 =	simm.s32 $0x19E00;
	s7 =	sand.u32 $0x1, s1;
	s9 =	smul.u32 $0x13C00, s0  }
0x7: {  	s5 =	sshrl.u32 s0, $0x3;
	s1 =	rddreg [dreg:$0x2];
	s12 =	smul.u32 $0x4E200, s0  }
0x8: {  	[smem:$0x7FF] =	sst s3;
	s8 =	sshll.u32 s0, $0x7;
	s4 =	smul.u32 $0x27800, s7  }
0x9: {  	s10 =	sshll.u32 s0, $0xB;
	s30 =	sshll.u32 s0, $0x6;
	s5 =	smul.u32 $0x13C00, s5  }
0xa: {  	s23 =	sand.u32 $0x380, s8;
	s24 =	smul.u32 $0x13C000, s7;
	_ =	strace $0x8000004A  }
0xb: {  	s10 =	sadd.s32 s10, s6;
	s26 =	ssub.s32 $0x2, s7;
	s7 =	sshll.u32 s7, $0xF  }
0xc: {  	s28 =	sshrl.u32 s26, $0x1;
	s29 =	sshrl.u32 s12, $0x2;
	s31 =	sadd.s32 s7, s10  }
0xd: {  	s4 =	sadd.s32 s4, s5;
	s25 =	sadd.s32 s9, s24;
	s14 =	ssub.s32 s26, s28  }
0xe: {  	s12 =	sadd.s32 s29, s2;
	s5 =	sor.u32 s23, s4;
	s4 =	sadd.s32 $0x20E00, s6  }
0xf: {  	s8 =	sshrl.u32 s25, $0x3;
	s10 =	smax.u32 s14, $0x1;
	s14 =	simm.s32 $0x400  }
0x10: {  	s23 =	simm.s32 $0x0;
	s5 =	sshrl.u32 s5, $0x3;
	s13 =	sadd.s32 s8, s6  }
0x11: {  	s8 =	sadd.s32 $0x4800, s31;
	s11 =	sadd.s32 s5, s6;
	s5 =	sadd.s32 $0x1E600, s6  }
0x12: {  	s6 =	sor.u32 $0x1C03, s30;
	s9 =	sadd.s32 $0x48000, s13;
	s13 =	simm.s32 $0x80  }
0x13: {  	s7 =	sadd.s32 $0x14800, s11;
	s11 =	sshrl.u32 s12, $0x3;
	s12 =	simm.s32 $0x3  }
.LBB2_1:
0x14: {  	[spmem:s11], [sflag:s6] =	dma.local [hbm:s5], $0x2710  }
0x15: {  	_ =	swait.ge [sflag:s12], $0x2710  }
0x16: {  	[sflag:s12] =	ssyncset.done $0x0  }
0x17: {  	[sflag:s12] =	ssyncadd.s32 $0xFFFFD8F0  }
0x18: {  	[tilespmem:s15], [sflag:$0x3] =	stream.strided.gather [hbm4b:s7+s13], $0x2780, s14, s13, $0x38;
	[tilespmem:$0x1F000] =	vst v63  }
0x19: {  	_ =	swait.ge [sflag:s12], $0x2780  }
0x1a: {  	[sflag:s12] =	ssyncset.done $0x0  }
0x1b: {  	[sflag:s12] =	ssyncadd.s32 $0xFFFFD880  }
0x1c: {  	[tilespmem:s16], [sflag:$0x3] =	stream.linear.gather [hbm4b:s8+s3], $0x3E80, $0x38;
	[tilespmem:$0x1F000] =	vst v63  }
0x1d: {  	_ =	swait.ge [sflag:s12], $0x3E80  }
0x1e: {  	[sflag:s12] =	ssyncset.done $0x0  }
0x1f: {  	[sflag:s12] =	ssyncadd.s32 $0xFFFFC180  }
0x20: {  	[bflag:$0x0] =	sbarrier.arrive $0xFFFF  }
0x21: {  	[tilespmem:s18], [sflag:$0x1] =	stream.indirect.gather [hbm4b:s4+s17], $0x80, s15, s17, $0xb8;
	[tilespmem:$0x1F000] =	vst v63  }
0x22: {  	s24 =	simm.s32 $0x138D0  }
0x23: {  	[tilespmem:s19], [sflag:$0x2] =	stream.indirect.gather [hbm4b:s4+s17], $0x80, s24, s17, $0xb8;
	[tilespmem:$0x1F000] =	vst v63  }
0x24: {  	_ =	swait.ge [sflag:s20], $0x2800  }
0x25: {  	[sflag:s20] =	ssyncset.done $0x0  }
0x26: {  	s29 =	simm.s32 $0x16000;
	[sflag:s20] =	ssyncadd.s32 $0xFFFFD800  }
0x27: {  	[spmem:s2] =	stream.indirect.scatter.add.f32 [tilespmem:s18], [sflag:$0x3], $0x80, s29, s17, $0xb8;
	[tilespmem:$0x1F000] =	vst v63  }
0x28: {  	_ =	swait.ge [sflag:s12], $0x2800  }
0x29: {  	[sflag:s12] =	ssyncset.done $0x0  }
0x2a: {  	s30 =	simm.s32 $0x13920;
	[sflag:s12] =	ssyncadd.s32 $0xFFFFD800  }
0x2b: {  	[tilespmem:s18], [sflag:$0x1] =	stream.indirect.gather [hbm4b:s4+s17], $0x80, s30, s17, $0xb8;
	[tilespmem:$0x1F000] =	vst v63  }
0x2c: {  	_ =	swait.ge [sflag:s21], $0x2800  }
0x2d: {  	[sflag:s21] =	ssyncset.done $0x0  }
0x2e: {  	s31 =	simm.s32 $0x16080;
	[sflag:s21] =	ssyncadd.s32 $0xFFFFD800  }
0x2f: {  	[spmem:s2] =	stream.indirect.scatter.add.f32 [tilespmem:s19], [sflag:$0x3], $0x80, s31, s17, $0xb8;
	[tilespmem:$0x1F000] =	vst v63  }
0x30: {  	s25 =	simm.s32 $0x400;
	_ =	swait.ge [sflag:s12], $0x2800  }
0x31: {  	s26 =	simm.s32 $0x800;
	s24 =	simm.s32 $0x139C0;
	[sflag:s12] =	ssyncset.done $0x0  }
.LBB2_2:
0x32: {  	p0 =	sne.s32 s26, $0xF400;
	s28 =	sadd.s32 $0xFFFFFFB0, s24;
	[sflag:s12] =	ssyncadd.s32 $0xFFFFD800  }
0x33: {  	[tilespmem:s19], [sflag:$0x2] =	stream.indirect.gather [hbm4b:s4+s17], $0x80, s28, s17, $0xb8;
	[tilespmem:$0x1F000] =	vst v63  }
0x34: {  	s28 =	smov.u32 s26;
	s26 =	sadd.s32 $0x400, s26;
	_ =	swait.ge [sflag:s20], $0x2800  }
0x35: {  	s29 =	sshra.s32 s25, $0x2;
	s25 =	smov.u32 s28;
	[sflag:s20] =	ssyncset.done $0x0  }
0x36: {  	s28 =	sadd.s32 $0x16000, s29;
	[sflag:s20] =	ssyncadd.s32 $0xFFFFD800  }
0x37: {  	[spmem:s2] =	stream.indirect.scatter.add.f32 [tilespmem:s18], [sflag:$0x3], $0x80, s28, s17, $0xb8;
	[tilespmem:$0x1F000] =	vst v63  }
0x38: {  	_ =	swait.ge [sflag:s12], $0x2800  }
0x39: {  	[sflag:s12] =	ssyncset.done $0x0  }
0x3a: {  	[sflag:s12] =	ssyncadd.s32 $0xFFFFD800  }
0x3b: {  	[tilespmem:s18], [sflag:$0x1] =	stream.indirect.gather [hbm4b:s4+s17], $0x80, s24, s17, $0xb8;
	[tilespmem:$0x1F000] =	vst v63  }
0x3c: {  	_ =	swait.ge [sflag:s21], $0x2800  }
.Ltmp0:
0x3d: {  	[sflag:s21] =	ssyncset.done $0x0;
	(pc) =	sbr.rel @p0 .LBB2_2-.Ltmp0, $4  }
0x3e: {  	s28 =	sadd.s32 $0x16080, s29;
	[sflag:s21] =	ssyncadd.s32 $0xFFFFD800  }
0x3f: {  	[spmem:s2] =	stream.indirect.scatter.add.f32 [tilespmem:s19], [sflag:$0x3], $0x80, s28, s17, $0xb8;
	[tilespmem:$0x1F000] =	vst v63  }
0x40: {  	_ =	swait.ge [sflag:s12], $0x2800  }
0x41: {  	s24 =	sadd.s32 $0xA0, s24;
	[sflag:s12] =	ssyncset.done $0x0  }
0x42: {  	s26 =	sadd.s32 $0xFFFFFFB0, s24;
	[sflag:s12] =	ssyncadd.s32 $0xFFFFD800  }
0x43: {  	[tilespmem:s19], [sflag:$0x2] =	stream.indirect.gather [hbm4b:s4+s17], $0x80, s26, s17, $0xb8;
	[tilespmem:$0x1F000] =	vst v63  }
0x44: {  	_ =	swait.ge [sflag:s20], $0x2800  }
0x45: {  	s25 =	sshra.s32 s25, $0x2;
	[sflag:s20] =	ssyncset.done $0x0  }
0x46: {  	s30 =	sadd.s32 $0x16000, s25;
	[sflag:s20] =	ssyncadd.s32 $0xFFFFD800  }
0x47: {  	[spmem:s2] =	stream.indirect.scatter.add.f32 [tilespmem:s18], [sflag:$0x3], $0x80, s30, s17, $0xb8;
	[tilespmem:$0x1F000] =	vst v63  }
0x48: {  	_ =	swait.ge [sflag:s12], $0x2800  }
0x49: {  	[sflag:s12] =	ssyncset.done $0x0  }
0x4a: {  	[sflag:s12] =	ssyncadd.s32 $0xFFFFD800  }
0x4b: {  	[tilespmem:s18], [sflag:$0x1] =	stream.indirect.gather [hbm4b:s4+s17], $0x80, s24, s17, $0xb8;
	[tilespmem:$0x1F000] =	vst v63  }
0x4c: {  	_ =	swait.ge [sflag:s21], $0x2800  }
0x4d: {  	[sflag:s21] =	ssyncset.done $0x0  }
0x4e: {  	s31 =	sadd.s32 $0x16080, s25;
	[sflag:s21] =	ssyncadd.s32 $0xFFFFD800  }
0x4f: {  	[spmem:s2] =	stream.indirect.scatter.add.f32 [tilespmem:s19], [sflag:$0x3], $0x80, s31, s17, $0xb8;
	[tilespmem:$0x1F000] =	vst v63  }
0x50: {  	_ =	swait.ge [sflag:s12], $0x2800  }
0x51: {  	[sflag:s12] =	ssyncset.done $0x0  }
0x52: {  	[sflag:s12] =	ssyncadd.s32 $0xFFFFD800  }
0x53: {  	_ =	swait.ge [sflag:s20], $0x2800  }
0x54: {  	[sflag:s20] =	ssyncset.done $0x0  }
0x55: {  	[sflag:s20] =	ssyncadd.s32 $0xFFFFD800  }
0x56: {  	[spmem:s2] =	stream.indirect.scatter.add.f32 [tilespmem:s18], [sflag:$0x3], $0x80, s22, s17, $0xb8;
	[tilespmem:$0x1F000] =	vst v63  }
0x57: {  	_ =	swait.ge [sflag:s12], $0x2800  }
0x58: {  	s23 =	sadd.s32 $0x1, s23;
	[sflag:s12] =	ssyncset.done $0x0  }
0x59: {  	p0 =	sne.s32 s23, s10;
	[sflag:s12] =	ssyncadd.s32 $0xFFFFD800  }
.Ltmp1:
0x5a: {  	[bflag:$0x0] =	sbarrier.arrive $0xFFFF;
	(pc) =	sbr.rel @p0 .LBB2_1-.Ltmp1, $4  }
0x5b: {  	[hbm:s9], [sflag:s6] =	dma.local [spmem:s11], $0x2710  }
0x5c: {  	_ =	swait.ge [sflag:s12], $0x2710  }
0x5d: {  	[sflag:s12] =	ssyncset.done $0x0  }
0x5e: {  	[sflag:s12] =	ssyncadd.s32 $0xFFFFD8F0  }
0x5f: {  	_ =	sfence.sel $0x180000  }
0x60: {  	[bflag:$0x0] =	sbarrier.arrive $0xFFFF  }
0x61: {  	p0 =	sne.s32 s0, $0x0;
	_ =	strace $0x9000004A  }
0x62: {  	s0 =	sadd.s32 @!p0 $0x100000, s1;
	[bflag:$0x2] =	sbarrier.arrive $0xFFFF  }
0x63: {  	[sflag:s0] =	ssyncadd.tile.s32 @!p0 $0x1;
	_ =	shalt  }
.Lfunc_end2:
_tile_overlayer_lowered:
.L_overlay_start_2:
0x64: {  	(tag) =	ssettag $0x2  }
0x65: {  	s0 =	rddreg [dreg:$0x0];
	s2 =	stileid.u32  }
0x66: {  	s1 =	rddreg [dreg:$0x1];
	p0 =	sne.s32 s2, $0x0  }
0x67: {  	s3 =	rddreg [dreg:$0x2];
	[bflag:$0x3] =	sbarrier.arrive $0xFFFF;
	s2 =	simm.s32 @!p0 $0x1C03  }
0x68: {  	[timem:s3], [sflag:s2] =	dma.local @!p0 [hbm:s0], s1  }
0x69: {  	s0 =	simm.s32 @!p0 $0x3  }
0x6a: {  	_ =	swait.ge @!p0 [sflag:s0], s1  }
0x6b: {  	s1 =	ssub.s32 @!p0 $0x0, s1;
	[sflag:s0] =	ssyncset.done @!p0 $0x0  }
0x6c: {  	[sflag:s0] =	ssyncadd.s32 @!p0 s1  }
0x6d: {  	[bflag:$0x3] =	sbarrier.arrive $0xFFFF  }
0x6e: {  	_ =	shalt  }

// kernel: kernel.14.cloned.1.call-start
scs
__scs_entry_jumppad:
0x0: {  	(pc) =	sbr.rel $0x88, $3  }
0x1: {  	(tag) =	ssettag $0x0;
	lr =	simm.s32 $0x1  }
0x2: {  	[smem:$0x3F94] =	sst lr;
	_ =	strace $0xD0000000  }
0x3: {  	_ = 	snop  }
0x4: {  	_ = 	snop  }
0x5: {  	_ = 	snop  }
0x6: {  	_ = 	snop  }
0x7: {  	_ = 	snop  }
__scs_overlays_trampoline_lowered:
0x8: {  	[smem:$0x3FA3] =	sst s0  }
0x9: {  	[smem:$0x3FA4] =	sst s1  }
0xa: {  	[smem:$0x3FA5] =	sst s2  }
0xb: {  	[smem:$0x3FA6] =	sst s3  }
0xc: {  	[smem:$0x3FA7] =	sst s4  }
0xd: {  	[smem:$0x3FA8] =	sst s5  }
0xe: {  	[smem:$0x3FA9] =	sst s6  }
0xf: {  	[smem:$0x3FAA] =	sst s7  }
0x10: {  	[smem:$0x3FAB] =	sst s8  }
0x11: {  	[smem:$0x3FAC] =	sst s9;
	s0 =	simm.s32 @!p0 $0x0  }
0x12: {  	s1 =	sld [smem:$0x3F92];
	s0 =	simm.s32 @p0 $0x1  }
0x13: {  	[smem:$0x3FAD] =	sst s0;
	s0 =	simm.s32 @!p1 $0x0  }
0x14: {  	s2 =	sld [smem:$0x3F91];
	s0 =	simm.s32 @p1 $0x1  }
0x15: {  	[smem:$0x3FAE] =	sst s0;
	s0 =	simm.s32 @!p2 $0x0  }
0x16: {  	s3 =	sld [smem:$0x3FDB];
	s0 =	simm.s32 @p2 $0x1  }
0x17: {  	s4 =	simm.s32 $0x1BF5;
	[smem:$0x3FB0] =	sst s0  }
0x18: {  	s0 =	sld [smem:$0x3F93];
	_ =	swait.ge [sflag:s4], $0x0  }
0x19: {  	s7 =	sld [smem:$0x3F94]  }
0x1a: {  	s8 =	sadd.s32 $0xFFFFE003, lr  }
0x1b: {  	s9 =	sadd.s32 $0xFFFFFEF7, lr;
	s5 =	simm.s32 $0xFFFFFFFF;
	p2 =	slt.u32 s8, $0xFFFFF086  }
0x1c: {  	p1 =	slt.u32 s9, $0xF7A;
	s5 =	simm.s32 @!p2 $0x0  }
0x1d: {  	s5 =	simm.s32 @p1 $0x1;
	p0 =	seq.s32 s7, s2  }
0x1e: {  	s7 =	smul.u32 @!p0 $0xF7A, s2;
	p2 =	seq.s32 @!p0 s5, $0x0  }
0x1f: {  	s9 =	smul.u32 $0xF7A, s1;
	s8 =	simm.s32 @!p0 $0x1BF5;
	p2 =	por !p2, p0  }
0x20: {  	[sflag:s8] =	ssyncset.s32 @!p0 $0xFFFFF086;
	s6 =	sadd.s32 @!p0 s3, s7;
	s7 =	simm.s32 @!p0 $0x108  }
0x21: {  	s3 =	sadd.s32 s3, s9;
	s6 =	sadd.s32 @!p0 $0x88, s6;
	s7 =	simm.s32 @p2 $0x1082  }
0x22: {  	[simem:s7], [sflag:s8] =	dma.local @!p0 [hbm:s6], $0xF7A  }
0x23: {  	s9 =	sor.u32 $0xD0000000, s2;
	s6 =	simm.s32 $0x108;
	_ =	swait.ge @!p0 [sflag:s8], $0x0  }
0x24: {  	s3 =	sadd.s32 $0x88, s3;
	s6 =	simm.s32 @!p1 $0x1082;
	[sflag:s4] =	ssyncset.s32 $0xFFFFF086  }
0x25: {  	[simem:s6], [sflag:s4] =	dma.local [hbm:s3], $0xF7A  }
0x26: {  	[smem:$0x3F94] =	sst s1;
	(tag) =	ssettag s2;
	_ =	strace s9  }
0x27: {  	s1 =	sld [smem:$0x3FA4]  }
0x28: {  	s2 =	sld [smem:$0x3FA5]  }
0x29: {  	s4 =	sld [smem:$0x3FA7]  }
0x2a: {  	p0 =	seq.s32 s5, $0x0;
	s5 =	sld [smem:$0x3FA8]  }
0x2b: {  	s6 =	sld [smem:$0x3FA9]  }
0x2c: {  	s7 =	sld [smem:$0x3FAA]  }
0x2d: {  	s3 =	simm.s32 $0x108;
	s8 =	sld [smem:$0x3FAB]  }
0x2e: {  	s3 =	simm.s32 @!p0 $0x1082;
	s9 =	sld [smem:$0x3FAC]  }
0x2f: {  	lr =	sadd.s32 s0, s3;
	s0 =	sld [smem:$0x3FA3]  }
0x30: {  	s3 =	sld [smem:$0x3FA6]  }
0x31: {  	[smem:$0x3FAF] =	sst s10  }
0x32: {  	s10 =	sld [smem:$0x3FAD];
	_ =	sdelay $0x3  }
0x33: {  	p0 =	seq.s32 s10, $0x1;
	s10 =	sld [smem:$0x3FAF];
	_ =	sdelay $0x3  }
0x34: {  	[smem:$0x3FAF] =	sst s10  }
0x35: {  	s10 =	sld [smem:$0x3FAE];
	_ =	sdelay $0x3  }
0x36: {  	p1 =	seq.s32 s10, $0x1;
	s10 =	sld [smem:$0x3FAF];
	_ =	sdelay $0x3  }
0x37: {  	[smem:$0x3FAF] =	sst s10  }
0x38: {  	s10 =	sld [smem:$0x3FB0]  }
0x39: {  	_ = 	snop;
	(pc) =	sbr.ind lr, $3  }
0x3a: {  	_ = 	snop  }
0x3b: {  	_ = 	snop  }
0x3c: {  	p2 =	seq.s32 s10, $0x1;
	s10 =	sld [smem:$0x3FAF]  }
0x3d: {  	_ =	shalt  }
0x3e: {  	_ =	shalt  }
0x3f: {  	_ =	shalt  }
0x40: {  	_ =	shalt  }
0x41: {  	_ =	shalt  }
0x42: {  	_ =	shalt  }
0x43: {  	_ =	shalt  }
0x44: {  	_ =	shalt  }
0x45: {  	_ =	shalt  }
0x46: {  	_ =	shalt  }
0x47: {  	_ =	shalt  }
0x48: {  	_ =	shalt  }
0x49: {  	_ =	shalt  }
0x4a: {  	_ =	shalt  }
0x4b: {  	_ =	shalt  }
0x4c: {  	_ =	shalt  }
0x4d: {  	_ =	shalt  }
0x4e: {  	_ =	shalt  }
0x4f: {  	_ =	shalt  }
0x50: {  	_ =	shalt  }
0x51: {  	_ =	shalt  }
0x52: {  	_ =	shalt  }
0x53: {  	_ =	shalt  }
0x54: {  	_ =	shalt  }
0x55: {  	_ =	shalt  }
0x56: {  	_ =	shalt  }
0x57: {  	_ =	shalt  }
0x58: {  	_ =	shalt  }
0x59: {  	_ =	shalt  }
0x5a: {  	_ =	shalt  }
0x5b: {  	_ =	shalt  }
0x5c: {  	_ =	shalt  }
0x5d: {  	_ =	shalt  }
0x5e: {  	_ =	shalt  }
0x5f: {  	_ =	shalt  }
0x60: {  	_ =	shalt  }
0x61: {  	_ =	shalt  }
0x62: {  	_ =	shalt  }
0x63: {  	_ =	shalt  }
0x64: {  	_ =	shalt  }
0x65: {  	_ =	shalt  }
0x66: {  	_ =	shalt  }
0x67: {  	_ =	shalt  }
0x68: {  	_ =	shalt  }
0x69: {  	_ =	shalt  }
0x6a: {  	_ =	shalt  }
0x6b: {  	_ =	shalt  }
0x6c: {  	_ =	shalt  }
0x6d: {  	_ =	shalt  }
0x6e: {  	_ =	shalt  }
0x6f: {  	_ =	shalt  }
0x70: {  	_ =	shalt  }
0x71: {  	_ =	shalt  }
0x72: {  	_ =	shalt  }
0x73: {  	_ =	shalt  }
0x74: {  	_ =	shalt  }
0x75: {  	_ =	shalt  }
0x76: {  	_ =	shalt  }
0x77: {  	_ =	shalt  }
0x78: {  	_ =	shalt  }
0x79: {  	_ =	shalt  }
0x7a: {  	_ =	shalt  }
0x7b: {  	_ =	shalt  }
0x7c: {  	_ =	shalt  }
0x7d: {  	_ =	shalt  }
0x7e: {  	_ =	shalt  }
0x7f: {  	_ =	shalt  }
0x80: {  	_ =	shalt  }
0x81: {  	_ =	shalt  }
0x82: {  	_ =	shalt  }
0x83: {  	_ =	shalt  }
0x84: {  	_ =	shalt  }
0x85: {  	_ =	shalt  }
0x86: {  	_ =	shalt  }
0x87: {  	_ =	shalt  }
.Lfunc_end0:
.L_simem_size_0:
called_computation.2_lowered:
.L_overlay_start_0:
0x88: {  	s2 =	sld [smem:$0x3FD9]  }
0x89: {  	s3 =	sld [smem:$0x3FFE];
	_ =	sdelay $0x1  }
0x8a: {  	s1 =	srdreg.scid  }
0x8b: {  	s0 =	sand.u32 $0x1, s1  }
0x8c: {  	s16 =	sshll.u32 s0, $0xA;
	s2 =	sadd.s32 s3, s2  }
0x8d: {  	s2 =	sadd.s32 s2, s16  }
0x8e: {  	[smem:$0x3FBB] =	sst s2  }
0x8f: {  	_ = 	snop  }
0x90: {  	(tm) =	ssettm $0x1  }
0x91: {  	s17 =	sld [smem:$0x3FFB];
	_ =	sdelay $0x3  }
0x92: {  	_ =	strace s17  }
0x93: {  	s2 =	sld [smem:$0x3FFC];
	_ =	sdelay $0x3  }
0x94: {  	_ =	strace s2  }
0x95: {  	s2 =	sld [smem:$0x3FFD];
	_ =	sdelay $0x3  }
0x96: {  	_ =	strace s2  }
0x97: {  	_ =	strace $0x8FFFFFFF  }
0x98: {  	s18 =	sld [smem:$0x3FDB];
	_ =	sdelay $0x1  }
0x99: {  	s19 =	simm.s32 $_scs_section_size  }
0x9a: {  	s4 =	simm.s32 $_size__tile_overlayer_lowered;
	s5 =	simm.s32 $_tile_overlayer_lowered  }
0x9b: {  	s22 =	simm.s32 $0x1BFF;
	s21 =	sshll.u32 s5, $0x1;
	s2 =	sadd.s32 s19, s18  }
0x9c: {  	s6 =	simm.s32 $0x0;
	s20 =	sshll.u32 s4, $0x1;
	s4 =	sadd.s32 s21, s2  }
0x9d: {  	[timem:s6], [sflag:s22] =	dma.local [hbm:s4], s20  }
0x9e: {  	_ =	swait.ge [sflag:s22], s20  }
0x9f: {  	s3 =	ssub.s32 $0x0, s20;
	[sflag:s22] =	ssyncset.done $0x0  }
0xa0: {  	[sflag:s22] =	ssyncadd.s32 s3;
	_ =	sdelay $0x1  }
0xa1: {  	s23 =	simm.s32 $0x1B8B  }
0xa2: {  	_ =	swait.ge [sflag:s23], $0x1  }
0xa3: {  	[sflag:s23] =	ssyncset.done $0x0  }
0xa4: {  	s25 =	simm.s32 $0x1B8E;
	s24 =	sld [smem:$0x3FFE];
	[sflag:s23] =	ssyncadd.s32 $0xFFFFFFFF  }
0xa5: {  	s26 =	simm.s32 $execute0_lowered;
	[smem:$0x3FD2] =	sst s25  }
0xa6: {  	s4 =	sshll.u32 s26, $0x1;
	_ =	strace $0x8000004C;
	[dreg:$0x1] =	wrdreg $0xFFFFFFFF  }
0xa7: {  	s28 =	simm.s32 $_size_execute0_lowered;
	s2 =	sadd.s32 s2, s4;
	[dreg:$0x0] =	wrdreg $0x0  }
0xa8: {  	s4 =	sshll.u32 s28, $0x1;
	[dreg:$0x2] =	wrdreg s2  }
0xa9: {  	[dreg:$0x3] =	wrdreg s4  }
0xaa: {  	[dreg:$0x4] =	wrdreg $0xC0  }
0xab: {  	_ =	task [dreg:s6], $0x5FFFF  }
0xac: {  	[dreg:$0x1] =	wrdreg $0xFFFFFFFF  }
0xad: {  	[dreg:$0x0] =	wrdreg $0x60  }
0xae: {  	[dreg:$0x2] =	wrdreg s24  }
0xaf: {  	[dreg:$0x3] =	wrdreg $0x0  }
0xb0: {  	[dreg:$0x4] =	wrdreg $0x9  }
0xb1: {  	_ =	task.clear_ibuf [dreg:s6], $0x5FFFF;
	_ =	strace $0x9000004C  }
0xb2: {  	s29 =	simm.s32 $0x9;
	_ =	strace $0x8000004E  }
0xb3: {  	_ =	swait.ge [sflag:s29], $0x1  }
0xb4: {  	[sflag:s29] =	ssyncadd.s32 $0xFFFFFFFF  }
0xb5: {  	_ =	strace $0x9000004E  }
0xb6: {  	_ =	sfence  }
0xb7: {  	s30 =	sld [smem:$0x0];
	_ =	sdelay $0x2  }
0xb8: {  	s31 =	sshll.u32 s1, $0xD;
	s1 =	sshrl.u32 s1, $0x2  }
0xb9: {  	s3 =	sand.u32 $0x4000, s31;
	s1 =	sadd.s32 s1, s30  }
0xba: {  	s0 =	sor.u32 s3, s0;
	s1 =	sshll.u32 s1, $0x11  }
0xbb: {  	s0 =	sor.u32 s1, s0  }
0xbc: {  	s0 =	sadd.s32 $0x8F2B, s0  }
0xbd: {  	[sflag:s0] =	ssyncadd.remote.s32 $0x1  }
0xbe: {  	_ =	sfence.sel $0xFFFF  }
0xbf: {  	[dreg:$0x0] =	wrdreg $0xFFFFFFFF;
	(pc) =	sbr.abs _section_cstart, $3  }
0xc0: {  	[dreg:$0x1] =	wrdreg $0xFFFFFFFF  }
0xc1: {  	_ =	task.clear_ibuf [dreg:s6], $0x2FFFF;
	_ =	strace $0x9FFFFFFF  }
0xc2: {  	(tm) =	ssettm $0x7FFFFFFF  }
0xc3: {  	_ =	shalt  }
tec
execute0_lowered:
.L_overlay_start_1:
0x0: {  	(tag) =	ssettag $0x1  }
0x1: {  	s1 =	srdreg.scid  }
0x2: {  	s6 =	rddreg [dreg:$0x0];
	s0 =	stileid.u32  }
0x3: {  	s2 =	rddreg [dreg:$0x1];
	s3 =	simm.s32 $0x0;
	s15 =	simm.s32 $0x13880  }
0x4: {  	s16 =	simm.s32 $0x16000;
	s17 =	simm.s32 $0x50;
	s18 =	simm.s32 $0x1A000  }
0x5: {  	s19 =	simm.s32 $0x1C800;
	s20 =	simm.s32 $0x1;
	s21 =	simm.s32 $0x2  }
0x6: {  	s22 =	simm.s32 $0x19E00;
	s7 =	sand.u32 $0x1, s1;
	s9 =	smul.u32 $0x13C00, s0  }
0x7: {  	s5 =	sshrl.u32 s0, $0x3;
	s1 =	rddreg [dreg:$0x2];
	s12 =	smul.u32 $0x4E200, s0  }
0x8: {  	[smem:$0x7FF] =	sst s3;
	s8 =	sshll.u32 s0, $0x7;
	s4 =	smul.u32 $0x27800, s7  }
0x9: {  	s10 =	sshll.u32 s0, $0xB;
	s30 =	sshll.u32 s0, $0x6;
	s5 =	smul.u32 $0x13C00, s5  }
0xa: {  	s23 =	sand.u32 $0x380, s8;
	s24 =	smul.u32 $0x13C000, s7;
	_ =	strace $0x8000004D  }
0xb: {  	s10 =	sadd.s32 s10, s6;
	s26 =	ssub.s32 $0x2, s7;
	s7 =	sshll.u32 s7, $0xF  }
0xc: {  	s28 =	sshrl.u32 s26, $0x1;
	s29 =	sshrl.u32 s12, $0x2;
	s31 =	sadd.s32 s7, s10  }
0xd: {  	s4 =	sadd.s32 s4, s5;
	s25 =	sadd.s32 s9, s24;
	s14 =	ssub.s32 s26, s28  }
0xe: {  	s12 =	sadd.s32 s29, s2;
	s5 =	sor.u32 s23, s4;
	s4 =	sadd.s32 $0x20E00, s6  }
0xf: {  	s8 =	sshrl.u32 s25, $0x3;
	s10 =	smax.u32 s14, $0x1;
	s14 =	simm.s32 $0x400  }
0x10: {  	s23 =	simm.s32 $0x0;
	s5 =	sshrl.u32 s5, $0x3;
	s13 =	sadd.s32 s8, s6  }
0x11: {  	s8 =	sadd.s32 $0x4800, s31;
	s11 =	sadd.s32 s5, s6;
	s5 =	sadd.s32 $0x1E600, s6  }
0x12: {  	s6 =	sor.u32 $0x1C03, s30;
	s9 =	sadd.s32 $0x48000, s13;
	s13 =	simm.s32 $0x80  }
0x13: {  	s7 =	sadd.s32 $0x14800, s11;
	s11 =	sshrl.u32 s12, $0x3;
	s12 =	simm.s32 $0x3  }
.LBB2_1:
0x14: {  	[spmem:s11], [sflag:s6] =	dma.local [hbm:s5], $0x2710  }
0x15: {  	_ =	swait.ge [sflag:s12], $0x2710  }
0x16: {  	[sflag:s12] =	ssyncset.done $0x0  }
0x17: {  	[sflag:s12] =	ssyncadd.s32 $0xFFFFD8F0  }
0x18: {  	[tilespmem:s15], [sflag:$0x3] =	stream.strided.gather [hbm4b:s7+s13], $0x2780, s14, s13, $0x38;
	[tilespmem:$0x1F000] =	vst v63  }
0x19: {  	_ =	swait.ge [sflag:s12], $0x2780  }
0x1a: {  	[sflag:s12] =	ssyncset.done $0x0  }
0x1b: {  	[sflag:s12] =	ssyncadd.s32 $0xFFFFD880  }
0x1c: {  	[tilespmem:s16], [sflag:$0x3] =	stream.linear.gather [hbm4b:s8+s3], $0x3E80, $0x38;
	[tilespmem:$0x1F000] =	vst v63  }
0x1d: {  	_ =	swait.ge [sflag:s12], $0x3E80  }
0x1e: {  	[sflag:s12] =	ssyncset.done $0x0  }
0x1f: {  	[sflag:s12] =	ssyncadd.s32 $0xFFFFC180  }
0x20: {  	[bflag:$0x0] =	sbarrier.arrive $0xFFFF  }
0x21: {  	[tilespmem:s18], [sflag:$0x1] =	stream.indirect.gather [hbm4b:s4+s17], $0x80, s15, s17, $0xb8;
	[tilespmem:$0x1F000] =	vst v63  }
0x22: {  	s24 =	simm.s32 $0x138D0  }
0x23: {  	[tilespmem:s19], [sflag:$0x2] =	stream.indirect.gather [hbm4b:s4+s17], $0x80, s24, s17, $0xb8;
	[tilespmem:$0x1F000] =	vst v63  }
0x24: {  	_ =	swait.ge [sflag:s20], $0x2800  }
0x25: {  	[sflag:s20] =	ssyncset.done $0x0  }
0x26: {  	s29 =	simm.s32 $0x16000;
	[sflag:s20] =	ssyncadd.s32 $0xFFFFD800  }
0x27: {  	[spmem:s2] =	stream.indirect.scatter.add.f32 [tilespmem:s18], [sflag:$0x3], $0x80, s29, s17, $0xb8;
	[tilespmem:$0x1F000] =	vst v63  }
0x28: {  	_ =	swait.ge [sflag:s12], $0x2800  }
0x29: {  	[sflag:s12] =	ssyncset.done $0x0  }
0x2a: {  	s30 =	simm.s32 $0x13920;
	[sflag:s12] =	ssyncadd.s32 $0xFFFFD800  }
0x2b: {  	[tilespmem:s18], [sflag:$0x1] =	stream.indirect.gather [hbm4b:s4+s17], $0x80, s30, s17, $0xb8;
	[tilespmem:$0x1F000] =	vst v63  }
0x2c: {  	_ =	swait.ge [sflag:s21], $0x2800  }
0x2d: {  	[sflag:s21] =	ssyncset.done $0x0  }
0x2e: {  	s31 =	simm.s32 $0x16080;
	[sflag:s21] =	ssyncadd.s32 $0xFFFFD800  }
0x2f: {  	[spmem:s2] =	stream.indirect.scatter.add.f32 [tilespmem:s19], [sflag:$0x3], $0x80, s31, s17, $0xb8;
	[tilespmem:$0x1F000] =	vst v63  }
0x30: {  	s25 =	simm.s32 $0x400;
	_ =	swait.ge [sflag:s12], $0x2800  }
0x31: {  	s26 =	simm.s32 $0x800;
	s24 =	simm.s32 $0x139C0;
	[sflag:s12] =	ssyncset.done $0x0  }
.LBB2_2:
0x32: {  	p0 =	sne.s32 s26, $0xF400;
	s28 =	sadd.s32 $0xFFFFFFB0, s24;
	[sflag:s12] =	ssyncadd.s32 $0xFFFFD800  }
0x33: {  	[tilespmem:s19], [sflag:$0x2] =	stream.indirect.gather [hbm4b:s4+s17], $0x80, s28, s17, $0xb8;
	[tilespmem:$0x1F000] =	vst v63  }
0x34: {  	s28 =	smov.u32 s26;
	s26 =	sadd.s32 $0x400, s26;
	_ =	swait.ge [sflag:s20], $0x2800  }
0x35: {  	s29 =	sshra.s32 s25, $0x2;
	s25 =	smov.u32 s28;
	[sflag:s20] =	ssyncset.done $0x0  }
0x36: {  	s28 =	sadd.s32 $0x16000, s29;
	[sflag:s20] =	ssyncadd.s32 $0xFFFFD800  }
0x37: {  	[spmem:s2] =	stream.indirect.scatter.add.f32 [tilespmem:s18], [sflag:$0x3], $0x80, s28, s17, $0xb8;
	[tilespmem:$0x1F000] =	vst v63  }
0x38: {  	_ =	swait.ge [sflag:s12], $0x2800  }
0x39: {  	[sflag:s12] =	ssyncset.done $0x0  }
0x3a: {  	[sflag:s12] =	ssyncadd.s32 $0xFFFFD800  }
0x3b: {  	[tilespmem:s18], [sflag:$0x1] =	stream.indirect.gather [hbm4b:s4+s17], $0x80, s24, s17, $0xb8;
	[tilespmem:$0x1F000] =	vst v63  }
0x3c: {  	_ =	swait.ge [sflag:s21], $0x2800  }
.Ltmp0:
0x3d: {  	[sflag:s21] =	ssyncset.done $0x0;
	(pc) =	sbr.rel @p0 .LBB2_2-.Ltmp0, $4  }
0x3e: {  	s28 =	sadd.s32 $0x16080, s29;
	[sflag:s21] =	ssyncadd.s32 $0xFFFFD800  }
0x3f: {  	[spmem:s2] =	stream.indirect.scatter.add.f32 [tilespmem:s19], [sflag:$0x3], $0x80, s28, s17, $0xb8;
	[tilespmem:$0x1F000] =	vst v63  }
0x40: {  	_ =	swait.ge [sflag:s12], $0x2800  }
0x41: {  	s24 =	sadd.s32 $0xA0, s24;
	[sflag:s12] =	ssyncset.done $0x0  }
0x42: {  	s26 =	sadd.s32 $0xFFFFFFB0, s24;
	[sflag:s12] =	ssyncadd.s32 $0xFFFFD800  }
0x43: {  	[tilespmem:s19], [sflag:$0x2] =	stream.indirect.gather [hbm4b:s4+s17], $0x80, s26, s17, $0xb8;
	[tilespmem:$0x1F000] =	vst v63  }
0x44: {  	_ =	swait.ge [sflag:s20], $0x2800  }
0x45: {  	s25 =	sshra.s32 s25, $0x2;
	[sflag:s20] =	ssyncset.done $0x0  }
0x46: {  	s30 =	sadd.s32 $0x16000, s25;
	[sflag:s20] =	ssyncadd.s32 $0xFFFFD800  }
0x47: {  	[spmem:s2] =	stream.indirect.scatter.add.f32 [tilespmem:s18], [sflag:$0x3], $0x80, s30, s17, $0xb8;
	[tilespmem:$0x1F000] =	vst v63  }
0x48: {  	_ =	swait.ge [sflag:s12], $0x2800  }
0x49: {  	[sflag:s12] =	ssyncset.done $0x0  }
0x4a: {  	[sflag:s12] =	ssyncadd.s32 $0xFFFFD800  }
0x4b: {  	[tilespmem:s18], [sflag:$0x1] =	stream.indirect.gather [hbm4b:s4+s17], $0x80, s24, s17, $0xb8;
	[tilespmem:$0x1F000] =	vst v63  }
0x4c: {  	_ =	swait.ge [sflag:s21], $0x2800  }
0x4d: {  	[sflag:s21] =	ssyncset.done $0x0  }
0x4e: {  	s31 =	sadd.s32 $0x16080, s25;
	[sflag:s21] =	ssyncadd.s32 $0xFFFFD800  }
0x4f: {  	[spmem:s2] =	stream.indirect.scatter.add.f32 [tilespmem:s19], [sflag:$0x3], $0x80, s31, s17, $0xb8;
	[tilespmem:$0x1F000] =	vst v63  }
0x50: {  	_ =	swait.ge [sflag:s12], $0x2800  }
0x51: {  	[sflag:s12] =	ssyncset.done $0x0  }
0x52: {  	[sflag:s12] =	ssyncadd.s32 $0xFFFFD800  }
0x53: {  	_ =	swait.ge [sflag:s20], $0x2800  }
0x54: {  	[sflag:s20] =	ssyncset.done $0x0  }
0x55: {  	[sflag:s20] =	ssyncadd.s32 $0xFFFFD800  }
0x56: {  	[spmem:s2] =	stream.indirect.scatter.add.f32 [tilespmem:s18], [sflag:$0x3], $0x80, s22, s17, $0xb8;
	[tilespmem:$0x1F000] =	vst v63  }
0x57: {  	_ =	swait.ge [sflag:s12], $0x2800  }
0x58: {  	s23 =	sadd.s32 $0x1, s23;
	[sflag:s12] =	ssyncset.done $0x0  }
0x59: {  	p0 =	sne.s32 s23, s10;
	[sflag:s12] =	ssyncadd.s32 $0xFFFFD800  }
.Ltmp1:
0x5a: {  	[bflag:$0x0] =	sbarrier.arrive $0xFFFF;
	(pc) =	sbr.rel @p0 .LBB2_1-.Ltmp1, $4  }
0x5b: {  	[hbm:s9], [sflag:s6] =	dma.local [spmem:s11], $0x2710  }
0x5c: {  	_ =	swait.ge [sflag:s12], $0x2710  }
0x5d: {  	[sflag:s12] =	ssyncset.done $0x0  }
0x5e: {  	[sflag:s12] =	ssyncadd.s32 $0xFFFFD8F0  }
0x5f: {  	_ =	sfence.sel $0x180000  }
0x60: {  	[bflag:$0x0] =	sbarrier.arrive $0xFFFF  }
0x61: {  	p0 =	sne.s32 s0, $0x0;
	_ =	strace $0x9000004D  }
0x62: {  	s0 =	sadd.s32 @!p0 $0x100000, s1;
	[bflag:$0x2] =	sbarrier.arrive $0xFFFF  }
0x63: {  	[sflag:s0] =	ssyncadd.tile.s32 @!p0 $0x1;
	_ =	shalt  }
.Lfunc_end2:
_tile_overlayer_lowered:
.L_overlay_start_2:
0x64: {  	(tag) =	ssettag $0x2  }
0x65: {  	s0 =	rddreg [dreg:$0x0];
	s2 =	stileid.u32  }
0x66: {  	s1 =	rddreg [dreg:$0x1];
	p0 =	sne.s32 s2, $0x0  }
0x67: {  	s3 =	rddreg [dreg:$0x2];
	[bflag:$0x3] =	sbarrier.arrive $0xFFFF;
	s2 =	simm.s32 @!p0 $0x1C03  }
0x68: {  	[timem:s3], [sflag:s2] =	dma.local @!p0 [hbm:s0], s1  }
0x69: {  	s0 =	simm.s32 @!p0 $0x3  }
0x6a: {  	_ =	swait.ge @!p0 [sflag:s0], s1  }
0x6b: {  	s1 =	ssub.s32 @!p0 $0x0, s1;
	[sflag:s0] =	ssyncset.done @!p0 $0x0  }
0x6c: {  	[sflag:s0] =	ssyncadd.s32 @!p0 s1  }
0x6d: {  	[bflag:$0x3] =	sbarrier.arrive $0xFFFF  }
0x6e: {  	_ =	shalt  }

// kernel: kernel.8.cloned.1.call-start
scs
__scs_entry_jumppad:
0x0: {  	(pc) =	sbr.rel $0x88, $3  }
0x1: {  	(tag) =	ssettag $0x0;
	lr =	simm.s32 $0x1  }
0x2: {  	[smem:$0x3F94] =	sst lr;
	_ =	strace $0xD0000000  }
0x3: {  	_ = 	snop  }
0x4: {  	_ = 	snop  }
0x5: {  	_ = 	snop  }
0x6: {  	_ = 	snop  }
0x7: {  	_ = 	snop  }
__scs_overlays_trampoline_lowered:
0x8: {  	[smem:$0x3FA3] =	sst s0  }
0x9: {  	[smem:$0x3FA4] =	sst s1  }
0xa: {  	[smem:$0x3FA5] =	sst s2  }
0xb: {  	[smem:$0x3FA6] =	sst s3  }
0xc: {  	[smem:$0x3FA7] =	sst s4  }
0xd: {  	[smem:$0x3FA8] =	sst s5  }
0xe: {  	[smem:$0x3FA9] =	sst s6  }
0xf: {  	[smem:$0x3FAA] =	sst s7  }
0x10: {  	[smem:$0x3FAB] =	sst s8  }
0x11: {  	[smem:$0x3FAC] =	sst s9;
	s0 =	simm.s32 @!p0 $0x0  }
0x12: {  	s1 =	sld [smem:$0x3F92];
	s0 =	simm.s32 @p0 $0x1  }
0x13: {  	[smem:$0x3FAD] =	sst s0;
	s0 =	simm.s32 @!p1 $0x0  }
0x14: {  	s2 =	sld [smem:$0x3F91];
	s0 =	simm.s32 @p1 $0x1  }
0x15: {  	[smem:$0x3FAE] =	sst s0;
	s0 =	simm.s32 @!p2 $0x0  }
0x16: {  	s3 =	sld [smem:$0x3FDB];
	s0 =	simm.s32 @p2 $0x1  }
0x17: {  	s4 =	simm.s32 $0x1BF5;
	[smem:$0x3FB0] =	sst s0  }
0x18: {  	s0 =	sld [smem:$0x3F93];
	_ =	swait.ge [sflag:s4], $0x0  }
0x19: {  	s7 =	sld [smem:$0x3F94]  }
0x1a: {  	s8 =	sadd.s32 $0xFFFFE003, lr  }
0x1b: {  	s9 =	sadd.s32 $0xFFFFFEF7, lr;
	s5 =	simm.s32 $0xFFFFFFFF;
	p2 =	slt.u32 s8, $0xFFFFF086  }
0x1c: {  	p1 =	slt.u32 s9, $0xF7A;
	s5 =	simm.s32 @!p2 $0x0  }
0x1d: {  	s5 =	simm.s32 @p1 $0x1;
	p0 =	seq.s32 s7, s2  }
0x1e: {  	s7 =	smul.u32 @!p0 $0xF7A, s2;
	p2 =	seq.s32 @!p0 s5, $0x0  }
0x1f: {  	s9 =	smul.u32 $0xF7A, s1;
	s8 =	simm.s32 @!p0 $0x1BF5;
	p2 =	por !p2, p0  }
0x20: {  	[sflag:s8] =	ssyncset.s32 @!p0 $0xFFFFF086;
	s6 =	sadd.s32 @!p0 s3, s7;
	s7 =	simm.s32 @!p0 $0x108  }
0x21: {  	s3 =	sadd.s32 s3, s9;
	s6 =	sadd.s32 @!p0 $0x88, s6;
	s7 =	simm.s32 @p2 $0x1082  }
0x22: {  	[simem:s7], [sflag:s8] =	dma.local @!p0 [hbm:s6], $0xF7A  }
0x23: {  	s9 =	sor.u32 $0xD0000000, s2;
	s6 =	simm.s32 $0x108;
	_ =	swait.ge @!p0 [sflag:s8], $0x0  }
0x24: {  	s3 =	sadd.s32 $0x88, s3;
	s6 =	simm.s32 @!p1 $0x1082;
	[sflag:s4] =	ssyncset.s32 $0xFFFFF086  }
0x25: {  	[simem:s6], [sflag:s4] =	dma.local [hbm:s3], $0xF7A  }
0x26: {  	[smem:$0x3F94] =	sst s1;
	(tag) =	ssettag s2;
	_ =	strace s9  }
0x27: {  	s1 =	sld [smem:$0x3FA4]  }
0x28: {  	s2 =	sld [smem:$0x3FA5]  }
0x29: {  	s4 =	sld [smem:$0x3FA7]  }
0x2a: {  	p0 =	seq.s32 s5, $0x0;
	s5 =	sld [smem:$0x3FA8]  }
0x2b: {  	s6 =	sld [smem:$0x3FA9]  }
0x2c: {  	s7 =	sld [smem:$0x3FAA]  }
0x2d: {  	s3 =	simm.s32 $0x108;
	s8 =	sld [smem:$0x3FAB]  }
0x2e: {  	s3 =	simm.s32 @!p0 $0x1082;
	s9 =	sld [smem:$0x3FAC]  }
0x2f: {  	lr =	sadd.s32 s0, s3;
	s0 =	sld [smem:$0x3FA3]  }
0x30: {  	s3 =	sld [smem:$0x3FA6]  }
0x31: {  	[smem:$0x3FAF] =	sst s10  }
0x32: {  	s10 =	sld [smem:$0x3FAD];
	_ =	sdelay $0x3  }
0x33: {  	p0 =	seq.s32 s10, $0x1;
	s10 =	sld [smem:$0x3FAF];
	_ =	sdelay $0x3  }
0x34: {  	[smem:$0x3FAF] =	sst s10  }
0x35: {  	s10 =	sld [smem:$0x3FAE];
	_ =	sdelay $0x3  }
0x36: {  	p1 =	seq.s32 s10, $0x1;
	s10 =	sld [smem:$0x3FAF];
	_ =	sdelay $0x3  }
0x37: {  	[smem:$0x3FAF] =	sst s10  }
0x38: {  	s10 =	sld [smem:$0x3FB0]  }
0x39: {  	_ = 	snop;
	(pc) =	sbr.ind lr, $3  }
0x3a: {  	_ = 	snop  }
0x3b: {  	_ = 	snop  }
0x3c: {  	p2 =	seq.s32 s10, $0x1;
	s10 =	sld [smem:$0x3FAF]  }
0x3d: {  	_ =	shalt  }
0x3e: {  	_ =	shalt  }
0x3f: {  	_ =	shalt  }
0x40: {  	_ =	shalt  }
0x41: {  	_ =	shalt  }
0x42: {  	_ =	shalt  }
0x43: {  	_ =	shalt  }
0x44: {  	_ =	shalt  }
0x45: {  	_ =	shalt  }
0x46: {  	_ =	shalt  }
0x47: {  	_ =	shalt  }
0x48: {  	_ =	shalt  }
0x49: {  	_ =	shalt  }
0x4a: {  	_ =	shalt  }
0x4b: {  	_ =	shalt  }
0x4c: {  	_ =	shalt  }
0x4d: {  	_ =	shalt  }
0x4e: {  	_ =	shalt  }
0x4f: {  	_ =	shalt  }
0x50: {  	_ =	shalt  }
0x51: {  	_ =	shalt  }
0x52: {  	_ =	shalt  }
0x53: {  	_ =	shalt  }
0x54: {  	_ =	shalt  }
0x55: {  	_ =	shalt  }
0x56: {  	_ =	shalt  }
0x57: {  	_ =	shalt  }
0x58: {  	_ =	shalt  }
0x59: {  	_ =	shalt  }
0x5a: {  	_ =	shalt  }
0x5b: {  	_ =	shalt  }
0x5c: {  	_ =	shalt  }
0x5d: {  	_ =	shalt  }
0x5e: {  	_ =	shalt  }
0x5f: {  	_ =	shalt  }
0x60: {  	_ =	shalt  }
0x61: {  	_ =	shalt  }
0x62: {  	_ =	shalt  }
0x63: {  	_ =	shalt  }
0x64: {  	_ =	shalt  }
0x65: {  	_ =	shalt  }
0x66: {  	_ =	shalt  }
0x67: {  	_ =	shalt  }
0x68: {  	_ =	shalt  }
0x69: {  	_ =	shalt  }
0x6a: {  	_ =	shalt  }
0x6b: {  	_ =	shalt  }
0x6c: {  	_ =	shalt  }
0x6d: {  	_ =	shalt  }
0x6e: {  	_ =	shalt  }
0x6f: {  	_ =	shalt  }
0x70: {  	_ =	shalt  }
0x71: {  	_ =	shalt  }
0x72: {  	_ =	shalt  }
0x73: {  	_ =	shalt  }
0x74: {  	_ =	shalt  }
0x75: {  	_ =	shalt  }
0x76: {  	_ =	shalt  }
0x77: {  	_ =	shalt  }
0x78: {  	_ =	shalt  }
0x79: {  	_ =	shalt  }
0x7a: {  	_ =	shalt  }
0x7b: {  	_ =	shalt  }
0x7c: {  	_ =	shalt  }
0x7d: {  	_ =	shalt  }
0x7e: {  	_ =	shalt  }
0x7f: {  	_ =	shalt  }
0x80: {  	_ =	shalt  }
0x81: {  	_ =	shalt  }
0x82: {  	_ =	shalt  }
0x83: {  	_ =	shalt  }
0x84: {  	_ =	shalt  }
0x85: {  	_ =	shalt  }
0x86: {  	_ =	shalt  }
0x87: {  	_ =	shalt  }
.Lfunc_end0:
.L_simem_size_0:
called_computation_lowered:
.L_overlay_start_0:
0x88: {  	s2 =	sld [smem:$0x3FD9]  }
0x89: {  	s3 =	sld [smem:$0x3FFE];
	_ =	sdelay $0x1  }
0x8a: {  	s1 =	srdreg.scid  }
0x8b: {  	s0 =	sand.u32 $0x1, s1  }
0x8c: {  	s17 =	sshll.u32 s0, $0xA;
	s2 =	sadd.s32 s3, s2  }
0x8d: {  	s2 =	sadd.s32 s2, s17  }
0x8e: {  	[smem:$0x3FBB] =	sst s2  }
0x8f: {  	_ = 	snop  }
0x90: {  	s2 =	sld [smem:$0x3FC9];
	(tm) =	ssettm $0x1  }
0x91: {  	s18 =	sld [smem:$0x3FFB];
	_ =	sdelay $0x3  }
0x92: {  	_ =	strace s18  }
0x93: {  	s3 =	sld [smem:$0x3FFC];
	_ =	sdelay $0x3  }
0x94: {  	_ =	strace s3  }
0x95: {  	s3 =	sld [smem:$0x3FFD];
	_ =	sdelay $0x3  }
0x96: {  	_ =	strace s3  }
0x97: {  	_ =	strace $0x8FFFFFFF  }
0x98: {  	s19 =	sld [smem:$0x3FDB];
	_ =	sdelay $0x1  }
0x99: {  	s4 =	simm.s32 $_scs_section_size  }
0x9a: {  	s5 =	simm.s32 $_size__tile_overlayer_lowered;
	s6 =	simm.s32 $_tile_overlayer_lowered  }
0x9b: {  	s22 =	simm.s32 $0x1BFF;
	s21 =	sshll.u32 s6, $0x1;
	s3 =	sadd.s32 s4, s19  }
0x9c: {  	s7 =	simm.s32 $0x0;
	s20 =	sshll.u32 s5, $0x1;
	s5 =	sadd.s32 s21, s3  }
0x9d: {  	[timem:s7], [sflag:s22] =	dma.local [hbm:s5], s20  }
0x9e: {  	_ =	swait.ge [sflag:s22], s20  }
0x9f: {  	s4 =	ssub.s32 $0x0, s20;
	[sflag:s22] =	ssyncset.done $0x0  }
0xa0: {  	[sflag:s22] =	ssyncadd.s32 s4;
	_ =	sdelay $0x1  }
0xa1: {  	s23 =	simm.s32 $0x1B8B  }
0xa2: {  	_ =	swait.ge [sflag:s23], $0x1  }
0xa3: {  	[sflag:s23] =	ssyncset.done $0x0  }
0xa4: {  	s25 =	simm.s32 $0x1B8E;
	s24 =	sld [smem:$0x3FFE];
	[sflag:s23] =	ssyncadd.s32 $0xFFFFFFFF  }
0xa5: {  	s26 =	simm.s32 $execute0_lowered;
	[smem:$0x3FD2] =	sst s25  }
0xa6: {  	s5 =	sshll.u32 s26, $0x1;
	_ =	strace $0x80000046;
	[dreg:$0x1] =	wrdreg $0xFFFFFFFF  }
0xa7: {  	s28 =	simm.s32 $_size_execute0_lowered;
	s3 =	sadd.s32 s3, s5;
	[dreg:$0x0] =	wrdreg $0x0  }
0xa8: {  	s5 =	sshll.u32 s28, $0x1;
	[dreg:$0x2] =	wrdreg s3  }
0xa9: {  	[dreg:$0x3] =	wrdreg s5  }
0xaa: {  	[dreg:$0x4] =	wrdreg $0xC0  }
0xab: {  	_ =	task [dreg:s7], $0x5FFFF  }
0xac: {  	[dreg:$0x1] =	wrdreg $0xFFFFFFFF  }
0xad: {  	[dreg:$0x0] =	wrdreg $0x60  }
0xae: {  	[dreg:$0x2] =	wrdreg s2  }
0xaf: {  	[dreg:$0x3] =	wrdreg s24  }
0xb0: {  	[dreg:$0x4] =	wrdreg $0x0  }
0xb1: {  	[dreg:$0x5] =	wrdreg $0x9  }
0xb2: {  	_ =	task.clear_ibuf [dreg:s7], $0x6FFFF;
	_ =	strace $0x90000046  }
0xb3: {  	s29 =	simm.s32 $0x9;
	_ =	strace $0x80000048  }
0xb4: {  	_ =	swait.ge [sflag:s29], $0x1  }
0xb5: {  	[sflag:s29] =	ssyncadd.s32 $0xFFFFFFFF  }
0xb6: {  	_ =	strace $0x90000048  }
0xb7: {  	_ =	sfence  }
0xb8: {  	s30 =	sld [smem:$0x0];
	_ =	sdelay $0x2  }
0xb9: {  	s31 =	sshll.u32 s1, $0xD;
	s1 =	sshrl.u32 s1, $0x2  }
0xba: {  	s3 =	sand.u32 $0x4000, s31;
	s1 =	sadd.s32 s1, s30  }
0xbb: {  	s0 =	sor.u32 s3, s0;
	s1 =	sshll.u32 s1, $0x11  }
0xbc: {  	s0 =	sor.u32 s1, s0  }
0xbd: {  	s0 =	sadd.s32 $0x8F2B, s0  }
0xbe: {  	[sflag:s0] =	ssyncadd.remote.s32 $0x1  }
0xbf: {  	_ =	sfence.sel $0xFFFF  }
0xc0: {  	[dreg:$0x0] =	wrdreg $0xFFFFFFFF;
	(pc) =	sbr.abs _section_cstart, $3  }
0xc1: {  	[dreg:$0x1] =	wrdreg $0xFFFFFFFF  }
0xc2: {  	_ =	task.clear_ibuf [dreg:s7], $0x2FFFF;
	_ =	strace $0x9FFFFFFF  }
0xc3: {  	(tm) =	ssettm $0x7FFFFFFF  }
tec
execute0_lowered:
.L_overlay_start_1:
0x0: {  	(tag) =	ssettag $0x1  }
0x1: {  	s1 =	rddreg [dreg:$0x0]  }
0x2: {  	s2 =	srdreg.scid;
	s7 =	rddreg [dreg:$0x1]  }
0x3: {  	s0 =	stileid.u32;
	s3 =	rddreg [dreg:$0x2];
	s4 =	simm.s32 $0x0  }
0x4: {  	s15 =	simm.s32 $0x13880;
	s16 =	simm.s32 $0x16000;
	s17 =	simm.s32 $0x50  }
0x5: {  	s18 =	simm.s32 $0x1A000;
	s19 =	simm.s32 $0x1C800;
	s20 =	simm.s32 $0x1  }
0x6: {  	s6 =	sand.u32 $0x1, s2;
	s21 =	sshrl.u32 s0, $0x3;
	s24 =	smul.u32 $0x13C00, s0  }
0x7: {  	s2 =	rddreg [dreg:$0x3];
	s9 =	sshll.u32 s0, $0x7;
	s12 =	smul.u32 $0x4E200, s0  }
0x8: {  	[smem:$0x7FF] =	sst s4;
	s10 =	sshll.u32 s0, $0xB;
	s5 =	smul.u32 $0x27800, s6  }
0x9: {  	s30 =	sshll.u32 s0, $0x6;
	s8 =	smul.u32 $0x13C00, s21;
	s22 =	sand.u32 $0x380, s9  }
0xa: {  	s23 =	smul.u32 $0x13C000, s6;
	_ =	strace $0x80000047;
	s10 =	sadd.s32 s10, s7  }
0xb: {  	s26 =	ssub.s32 $0x2, s6;
	s6 =	sshll.u32 s6, $0xF;
	s21 =	simm.s32 $0x2  }
0xc: {  	s28 =	sshrl.u32 s26, $0x1;
	s29 =	sshrl.u32 s12, $0x2;
	s31 =	sadd.s32 s6, s10  }
0xd: {  	s6 =	sor.u32 $0x1C03, s30;
	s5 =	sadd.s32 s5, s8;
	s25 =	sadd.s32 s24, s23  }
0xe: {  	s14 =	ssub.s32 s26, s28;
	s12 =	sadd.s32 s29, s3;
	s23 =	simm.s32 $0x0  }
0xf: {  	s5 =	sor.u32 s22, s5;
	s8 =	sshrl.u32 s25, $0x3;
	s10 =	smax.u32 s14, $0x1  }
0x10: {  	s14 =	simm.s32 $0x400;
	s22 =	simm.s32 $0x19E00;
	s5 =	sshrl.u32 s5, $0x3  }
0x11: {  	s13 =	sadd.s32 s8, s7;
	s8 =	sadd.s32 $0x4800, s31;
	s11 =	sadd.s32 s5, s7  }
0x12: {  	s5 =	sadd.s32 $0x1E600, s7;
	s9 =	sadd.s32 $0x20E00, s13;
	s13 =	simm.s32 $0x80  }
0x13: {  	s7 =	sadd.s32 $0x14800, s11;
	s11 =	sshrl.u32 s12, $0x3;
	s12 =	simm.s32 $0x3  }
.LBB2_1:
0x14: {  	[spmem:s11], [sflag:s6] =	dma.local [hbm:s5], $0x2710  }
0x15: {  	_ =	swait.ge [sflag:s12], $0x2710  }
0x16: {  	[sflag:s12] =	ssyncset.done $0x0  }
0x17: {  	[sflag:s12] =	ssyncadd.s32 $0xFFFFD8F0  }
0x18: {  	[tilespmem:s15], [sflag:$0x3] =	stream.strided.gather [hbm4b:s7+s13], $0x2780, s14, s13, $0x38;
	[tilespmem:$0x1F000] =	vst v63  }
0x19: {  	_ =	swait.ge [sflag:s12], $0x2780  }
0x1a: {  	[sflag:s12] =	ssyncset.done $0x0  }
0x1b: {  	[sflag:s12] =	ssyncadd.s32 $0xFFFFD880  }
0x1c: {  	[tilespmem:s16], [sflag:$0x3] =	stream.linear.gather [hbm4b:s8+s4], $0x3E80, $0x38;
	[tilespmem:$0x1F000] =	vst v63  }
0x1d: {  	_ =	swait.ge [sflag:s12], $0x3E80  }
0x1e: {  	[sflag:s12] =	ssyncset.done $0x0  }
0x1f: {  	[sflag:s12] =	ssyncadd.s32 $0xFFFFC180  }
0x20: {  	[bflag:$0x0] =	sbarrier.arrive $0xFFFF  }
0x21: {  	[tilespmem:s18], [sflag:$0x1] =	stream.indirect.gather [hbm4b:s1+s17], $0x80, s15, s17, $0xb8;
	[tilespmem:$0x1F000] =	vst v63  }
0x22: {  	s24 =	simm.s32 $0x138D0  }
0x23: {  	[tilespmem:s19], [sflag:$0x2] =	stream.indirect.gather [hbm4b:s1+s17], $0x80, s24, s17, $0xb8;
	[tilespmem:$0x1F000] =	vst v63  }
0x24: {  	_ =	swait.ge [sflag:s20], $0x2800  }
0x25: {  	[sflag:s20] =	ssyncset.done $0x0  }
0x26: {  	s29 =	simm.s32 $0x16000;
	[sflag:s20] =	ssyncadd.s32 $0xFFFFD800  }
0x27: {  	[spmem:s3] =	stream.indirect.scatter.add.f32 [tilespmem:s18], [sflag:$0x3], $0x80, s29, s17, $0xb8;
	[tilespmem:$0x1F000] =	vst v63  }
0x28: {  	_ =	swait.ge [sflag:s12], $0x2800  }
0x29: {  	[sflag:s12] =	ssyncset.done $0x0  }
0x2a: {  	s30 =	simm.s32 $0x13920;
	[sflag:s12] =	ssyncadd.s32 $0xFFFFD800  }
0x2b: {  	[tilespmem:s18], [sflag:$0x1] =	stream.indirect.gather [hbm4b:s1+s17], $0x80, s30, s17, $0xb8;
	[tilespmem:$0x1F000] =	vst v63  }
0x2c: {  	_ =	swait.ge [sflag:s21], $0x2800  }
0x2d: {  	[sflag:s21] =	ssyncset.done $0x0  }
0x2e: {  	s31 =	simm.s32 $0x16080;
	[sflag:s21] =	ssyncadd.s32 $0xFFFFD800  }
0x2f: {  	[spmem:s3] =	stream.indirect.scatter.add.f32 [tilespmem:s19], [sflag:$0x3], $0x80, s31, s17, $0xb8;
	[tilespmem:$0x1F000] =	vst v63  }
0x30: {  	s25 =	simm.s32 $0x400;
	_ =	swait.ge [sflag:s12], $0x2800  }
0x31: {  	s26 =	simm.s32 $0x800;
	s24 =	simm.s32 $0x139C0;
	[sflag:s12] =	ssyncset.done $0x0  }
.LBB2_2:
0x32: {  	p0 =	sne.s32 s26, $0xF400;
	s28 =	sadd.s32 $0xFFFFFFB0, s24;
	[sflag:s12] =	ssyncadd.s32 $0xFFFFD800  }
0x33: {  	[tilespmem:s19], [sflag:$0x2] =	stream.indirect.gather [hbm4b:s1+s17], $0x80, s28, s17, $0xb8;
	[tilespmem:$0x1F000] =	vst v63  }
0x34: {  	s28 =	smov.u32 s26;
	s26 =	sadd.s32 $0x400, s26;
	_ =	swait.ge [sflag:s20], $0x2800  }
0x35: {  	s29 =	sshra.s32 s25, $0x2;
	s25 =	smov.u32 s28;
	[sflag:s20] =	ssyncset.done $0x0  }
0x36: {  	s28 =	sadd.s32 $0x16000, s29;
	[sflag:s20] =	ssyncadd.s32 $0xFFFFD800  }
0x37: {  	[spmem:s3] =	stream.indirect.scatter.add.f32 [tilespmem:s18], [sflag:$0x3], $0x80, s28, s17, $0xb8;
	[tilespmem:$0x1F000] =	vst v63  }
0x38: {  	_ =	swait.ge [sflag:s12], $0x2800  }
0x39: {  	[sflag:s12] =	ssyncset.done $0x0  }
0x3a: {  	[sflag:s12] =	ssyncadd.s32 $0xFFFFD800  }
0x3b: {  	[tilespmem:s18], [sflag:$0x1] =	stream.indirect.gather [hbm4b:s1+s17], $0x80, s24, s17, $0xb8;
	[tilespmem:$0x1F000] =	vst v63  }
0x3c: {  	_ =	swait.ge [sflag:s21], $0x2800  }
.Ltmp0:
0x3d: {  	[sflag:s21] =	ssyncset.done $0x0;
	(pc) =	sbr.rel @p0 .LBB2_2-.Ltmp0, $4  }
0x3e: {  	s28 =	sadd.s32 $0x16080, s29;
	[sflag:s21] =	ssyncadd.s32 $0xFFFFD800  }
0x3f: {  	[spmem:s3] =	stream.indirect.scatter.add.f32 [tilespmem:s19], [sflag:$0x3], $0x80, s28, s17, $0xb8;
	[tilespmem:$0x1F000] =	vst v63  }
0x40: {  	_ =	swait.ge [sflag:s12], $0x2800  }
0x41: {  	s24 =	sadd.s32 $0xA0, s24;
	[sflag:s12] =	ssyncset.done $0x0  }
0x42: {  	s26 =	sadd.s32 $0xFFFFFFB0, s24;
	[sflag:s12] =	ssyncadd.s32 $0xFFFFD800  }
0x43: {  	[tilespmem:s19], [sflag:$0x2] =	stream.indirect.gather [hbm4b:s1+s17], $0x80, s26, s17, $0xb8;
	[tilespmem:$0x1F000] =	vst v63  }
0x44: {  	_ =	swait.ge [sflag:s20], $0x2800  }
0x45: {  	s25 =	sshra.s32 s25, $0x2;
	[sflag:s20] =	ssyncset.done $0x0  }
0x46: {  	s30 =	sadd.s32 $0x16000, s25;
	[sflag:s20] =	ssyncadd.s32 $0xFFFFD800  }
0x47: {  	[spmem:s3] =	stream.indirect.scatter.add.f32 [tilespmem:s18], [sflag:$0x3], $0x80, s30, s17, $0xb8;
	[tilespmem:$0x1F000] =	vst v63  }
0x48: {  	_ =	swait.ge [sflag:s12], $0x2800  }
0x49: {  	[sflag:s12] =	ssyncset.done $0x0  }
0x4a: {  	[sflag:s12] =	ssyncadd.s32 $0xFFFFD800  }
0x4b: {  	[tilespmem:s18], [sflag:$0x1] =	stream.indirect.gather [hbm4b:s1+s17], $0x80, s24, s17, $0xb8;
	[tilespmem:$0x1F000] =	vst v63  }
0x4c: {  	_ =	swait.ge [sflag:s21], $0x2800  }
0x4d: {  	[sflag:s21] =	ssyncset.done $0x0  }
0x4e: {  	s31 =	sadd.s32 $0x16080, s25;
	[sflag:s21] =	ssyncadd.s32 $0xFFFFD800  }
0x4f: {  	[spmem:s3] =	stream.indirect.scatter.add.f32 [tilespmem:s19], [sflag:$0x3], $0x80, s31, s17, $0xb8;
	[tilespmem:$0x1F000] =	vst v63  }
0x50: {  	_ =	swait.ge [sflag:s12], $0x2800  }
0x51: {  	[sflag:s12] =	ssyncset.done $0x0  }
0x52: {  	[sflag:s12] =	ssyncadd.s32 $0xFFFFD800  }
0x53: {  	_ =	swait.ge [sflag:s20], $0x2800  }
0x54: {  	[sflag:s20] =	ssyncset.done $0x0  }
0x55: {  	[sflag:s20] =	ssyncadd.s32 $0xFFFFD800  }
0x56: {  	[spmem:s3] =	stream.indirect.scatter.add.f32 [tilespmem:s18], [sflag:$0x3], $0x80, s22, s17, $0xb8;
	[tilespmem:$0x1F000] =	vst v63  }
0x57: {  	_ =	swait.ge [sflag:s12], $0x2800  }
0x58: {  	s23 =	sadd.s32 $0x1, s23;
	[sflag:s12] =	ssyncset.done $0x0  }
0x59: {  	p0 =	sne.s32 s23, s10;
	[sflag:s12] =	ssyncadd.s32 $0xFFFFD800  }
.Ltmp1:
0x5a: {  	[bflag:$0x0] =	sbarrier.arrive $0xFFFF;
	(pc) =	sbr.rel @p0 .LBB2_1-.Ltmp1, $4  }
0x5b: {  	[hbm:s9], [sflag:s6] =	dma.local [spmem:s11], $0x2710  }
0x5c: {  	_ =	swait.ge [sflag:s12], $0x2710  }
0x5d: {  	[sflag:s12] =	ssyncset.done $0x0  }
0x5e: {  	[sflag:s12] =	ssyncadd.s32 $0xFFFFD8F0  }
0x5f: {  	_ =	sfence.sel $0x180000  }
0x60: {  	[bflag:$0x0] =	sbarrier.arrive $0xFFFF  }
0x61: {  	p0 =	sne.s32 s0, $0x0;
	_ =	strace $0x90000047  }
0x62: {  	s0 =	sadd.s32 @!p0 $0x100000, s2;
	[bflag:$0x2] =	sbarrier.arrive $0xFFFF  }
0x63: {  	[sflag:s0] =	ssyncadd.tile.s32 @!p0 $0x1;
	_ =	shalt  }
.Lfunc_end2:
_tile_overlayer_lowered:
.L_overlay_start_2:
0x64: {  	(tag) =	ssettag $0x2  }
0x65: {  	s0 =	rddreg [dreg:$0x0];
	s2 =	stileid.u32  }
0x66: {  	s1 =	rddreg [dreg:$0x1];
	p0 =	sne.s32 s2, $0x0  }
0x67: {  	s3 =	rddreg [dreg:$0x2];
	[bflag:$0x3] =	sbarrier.arrive $0xFFFF;
	s2 =	simm.s32 @!p0 $0x1C03  }
0x68: {  	[timem:s3], [sflag:s2] =	dma.local @!p0 [hbm:s0], s1  }
0x69: {  	s0 =	simm.s32 @!p0 $0x3  }
0x6a: {  	_ =	swait.ge @!p0 [sflag:s0], s1  }
0x6b: {  	s1 =	ssub.s32 @!p0 $0x0, s1;
	[sflag:s0] =	ssyncset.done @!p0 $0x0  }
0x6c: {  	[sflag:s0] =	ssyncadd.s32 @!p0 s1  }
0x6d: {  	[bflag:$0x3] =	sbarrier.arrive $0xFFFF  }
0x6e: {  	_ =	shalt  }

</sc_bundles>
